<compile_context>
chip_gen: v7x
topology: tpu7x:2x2x1
jax: 0.10.2.dev20260603
libtpu: 0.0.44.dev20260713+nightly
codegen_flags: <defaults>
</compile_context>

<pallas_src>
import functools

import jax
import jax.numpy as jnp
from jax import lax
from jax.experimental import pallas as pl
from jax.experimental.pallas import tpu as pltpu
from jax.experimental.pallas import tpu_sc as plsc

_B, _C = 16, 384
_T = 24 * 24
_K, _D = 1024, 32
_N = _B * _T
_EPS = 1e-5

_BB = 2
_T2 = _BB * _T
_NSTEP = _B // _BB

_NC, _NS = 2, 16
_NW = _NC * _NS
_BPW = _N // _NW


def _table_body(emb_ref, w1_ref, b1_ref, w2_ref, b2_ref, g_ref,
                bt_ref, out_ref, embt_ref, e2_ref):
    bf = lambda a: a.astype(jnp.bfloat16)
    emb = emb_ref[...]
    h = jnp.maximum(
        jnp.dot(bf(emb), bf(w1_ref[...]),
                preferred_element_type=jnp.float32) + b1_ref[...], 0.0)
    q = jnp.dot(bf(h), bf(w2_ref[...]),
                preferred_element_type=jnp.float32) + b2_ref[...]
    m = jnp.mean(q, axis=-1, keepdims=True)
    v = jnp.mean((q - m) ** 2, axis=-1, keepdims=True)
    out_ref[...] = (q - m) / jnp.sqrt(v + _EPS) * g_ref[...] + bt_ref[...]
    embt = emb.T
    embt_ref[...] = bf(embt)
    e2_ref[...] = jnp.sum(embt * embt, axis=0, keepdims=True)


def _table(emb, w1, b1, w2, b2, g, bt):
    return pl.pallas_call(
        _table_body,
        out_shape=[jax.ShapeDtypeStruct((_K, _C), jnp.float32),
                   jax.ShapeDtypeStruct((_D, _K), jnp.bfloat16),
                   jax.ShapeDtypeStruct((1, _K), jnp.float32)],
    )(emb, w1, b1, w2, b2, g, bt)


def _front_body(f_ref, w1_ref, b1_ref, w2_ref, b2_ref, g_ref, bt_ref,
                embt_ref, e2_ref, idx_ref, enc_ref):
    bf = lambda a: a.astype(jnp.bfloat16)
    w1 = w1_ref[...]
    ht = jnp.concatenate(
        [lax.dot_general(bf(f_ref[i]), w1, (((0,), (0,)), ((), ())),
                         preferred_element_type=jnp.float32)
         for i in range(_BB)], axis=0)
    h = jnp.maximum(ht + b1_ref[...], 0.0)
    z = jnp.dot(bf(h), w2_ref[...],
                preferred_element_type=jnp.float32) + b2_ref[...]
    m = jnp.mean(z, axis=-1, keepdims=True)
    v = jnp.mean((z - m) ** 2, axis=-1, keepdims=True)
    zn = (z - m) / jnp.sqrt(v + _EPS) * g_ref[...] + bt_ref[...]
    scores = e2_ref[...] - 2.0 * jnp.dot(bf(zn), embt_ref[...],
                                         preferred_element_type=jnp.float32)
    iota = lax.broadcasted_iota(jnp.int32, (_T2, _K), 1)
    mn = jnp.min(scores, axis=1, keepdims=True)
    idx = jnp.min(jnp.where(scores == mn, iota, _K), axis=1)
    idx_ref[0, 0, :] = idx
    enc_ref[0] = (iota == idx[:, None]).astype(jnp.float32)


def _front(f3, w1, b1, w2, b2, g, bt, embt, e2):
    full = lambda *s: pl.BlockSpec(s, lambda i: (0,) * len(s))
    return pl.pallas_call(
        _front_body,
        grid=(_NSTEP,),
        in_specs=[
            pl.BlockSpec((_BB, _C, _T), lambda i: (i, 0, 0)),
            full(_C, _C), full(1, _C), full(_C, _D), full(1, _D),
            full(1, _D), full(1, _D), full(_D, _K), full(1, _K),
        ],
        out_specs=[
            pl.BlockSpec((1, 1, _T2), lambda i: (i, 0, 0)),
            pl.BlockSpec((1, _T2, _K), lambda i: (i, 0, 0)),
        ],
        out_shape=[
            jax.ShapeDtypeStruct((_NSTEP, 1, _T2), jnp.int32),
            jax.ShapeDtypeStruct((_NSTEP, _T2, _K), jnp.float32),
        ],
    )(f3, w1, b1, w2, b2, g, bt, embt, e2)


def _gather_body(table_hbm, idx_hbm, out_hbm, idx_v, rows_v, sem):
    wid = lax.axis_index("s") * _NC + lax.axis_index("c")
    base = wid * _BPW
    pltpu.sync_copy(idx_hbm.at[pl.ds(base, _BPW)], idx_v)
    pltpu.async_copy(table_hbm.at[idx_v], rows_v, sem).wait()
    pltpu.sync_copy(rows_v, out_hbm.at[pl.ds(base, _BPW)])


def _gather(table, idx):
    mesh = plsc.VectorSubcoreMesh(core_axis_name="c", subcore_axis_name="s")
    kern = functools.partial(
        pl.kernel, mesh=mesh,
        out_type=jax.ShapeDtypeStruct((_N, _C), jnp.float32),
        scratch_types=[
            pltpu.VMEM((_BPW,), jnp.int32),
            pltpu.VMEM((_BPW, _C), jnp.float32),
            pltpu.SemaphoreType.DMA,
        ],
    )(_gather_body)
    return kern(table, idx)


def kernel(features, y, W_in1, b_in1, W_in2, b_in2, g_in, beta_in, emb,
           W_out1, b_out1, W_out2, b_out2, g_out, beta_out):
    row = lambda a: a.reshape(1, -1)
    bf = lambda a: a.astype(jnp.bfloat16)
    table, embt_bf, e2 = _table(emb, W_out1, row(b_out1), W_out2, row(b_out2),
                                row(g_out), row(beta_out))
    f3 = features.reshape(_B, _C, _T)
    idx3, enc = _front(f3, bf(W_in1), row(b_in1), bf(W_in2), row(b_in2),
                       row(g_in), row(beta_in), embt_bf, e2)
    idx = idx3.reshape(_N)
    q = _gather(table, idx)
    quantized = q.reshape(_B, _T, _C)
    return (quantized, idx.reshape(_N, 1), enc.reshape(_B, _T, _K))

# --- scband reference (transcript-rebuilt; emitter-appended) ---
"""Pipeline reference for scband-base-vector-quantizer-29334626631755 (READ-ONLY COPY).

The authoritative reference and input builder live on the scoring server;
editing this copy changes nothing except your own understanding.
"""

import jax, jax.numpy as jnp
import numpy as np

B, C, Hc, Wc = 16, 384, 24, 24
K, D = 1024, 32
T = Hc * Wc


def _layernorm(x, g, b, eps=1e-5):
    m = jnp.mean(x, axis=-1, keepdims=True)
    v = jnp.mean((x - m) ** 2, axis=-1, keepdims=True)
    return (x - m) / jnp.sqrt(v + eps) * g + b


def setup_inputs(seed: int = 0) -> dict:
    key = jax.random.key(seed)
    ks = jax.random.split(key, 16)
    s = 0.02
    return {
        "features": jax.random.normal(ks[0], (B, C, Hc, Wc), dtype=jnp.float32),
        "y": jax.random.randint(ks[1], (B,), 0, 10, dtype=jnp.int32),
        "W_in1": jax.random.normal(ks[2], (C, C), dtype=jnp.float32) * s,
        "b_in1": jnp.zeros((C,), dtype=jnp.float32),
        "W_in2": jax.random.normal(ks[3], (C, D), dtype=jnp.float32) * s,
        "b_in2": jnp.zeros((D,), dtype=jnp.float32),
        "g_in": jnp.ones((D,), dtype=jnp.float32),
        "beta_in": jnp.zeros((D,), dtype=jnp.float32),
        "emb": jax.random.normal(ks[4], (K, D), dtype=jnp.float32),
        "W_out1": jax.random.normal(ks[5], (D, C), dtype=jnp.float32) * s,
        "b_out1": jnp.zeros((C,), dtype=jnp.float32),
        "W_out2": jax.random.normal(ks[6], (C, C), dtype=jnp.float32) * s,
        "b_out2": jnp.zeros((C,), dtype=jnp.float32),
        "g_out": jnp.ones((C,), dtype=jnp.float32),
        "beta_out": jnp.zeros((C,), dtype=jnp.float32),
    }


def reference(features, y, W_in1, b_in1, W_in2, b_in2, g_in, beta_in, emb,
              W_out1, b_out1, W_out2, b_out2, g_out, beta_out):
    # sample(features, y) with from_train=False, quantize='spatial', gumble=False
    # flatten(-2,-1) then permute(0, 2, 1): [B, C, H, W] -> [B, T, C]
    f = features.reshape(B, C, T).transpose(0, 2, 1)
    # project_in: Linear(C,C) -> ReLU -> Linear(C,D)
    h = jnp.maximum(jnp.dot(f, W_in1) + b_in1, 0.0)
    x = jnp.dot(h, W_in2) + b_in2
    # norm_in: LayerNorm(D)
    x = _layernorm(x, g_in, beta_in)
    # vq_sample: flatten to [-1, D], euclidian distance to codebook
    flat = x.reshape(-1, D)
    dist = (jnp.sum(flat ** 2, axis=1, keepdims=True)
            - 2.0 * jnp.dot(flat, emb.T)
            + jnp.sum(emb ** 2, axis=1)[None, :])
    idx = jnp.argmin(dist, axis=1)
    encodings = jax.nn.one_hot(idx, K, dtype=jnp.float32)
    # quantized = one_hot @ codebook (gather via matmul, faithful to torch)
    q = jnp.dot(encodings, emb)
    # project_out: Linear(D,C) -> ReLU -> Linear(C,C)
    h2 = jnp.maximum(jnp.dot(q, W_out1) + b_out1, 0.0)
    q = jnp.dot(h2, W_out2) + b_out2
    # norm_out: LayerNorm(C)
    q = _layernorm(q, g_out, beta_out)
    quantized = q.reshape(B, -1, C)
    encoding_indices = idx.reshape(-1, 1)
    encodings_out = encodings.reshape(B, -1, K)
    return (quantized, encoding_indices, encodings_out)

if __name__ == "__main__":
    import jax
    _d = setup_inputs()
    print(jax.jit(kernel)(*tuple(_d.values())))

</pallas_src>

<mosaic_0001>
#map = affine_map<(d0, d1) -> (0, 0)>
#map1 = affine_map<(d0, d1) -> (0)>
module attributes {stable_mosaic.version = 14 : i64} {
  func.func @_gather_body(%arg0: i32, %arg1: i32, %arg2: memref<1024x384xf32, #tpu.memory_space<hbm>>, %arg3: memref<9216xi32, #tpu.memory_space<hbm>>, %arg4: memref<9216x384xf32, #tpu.memory_space<hbm>>, %arg5: memref<288xi32, #tpu.memory_space<vmem>>, %arg6: memref<288x384xf32, #tpu.memory_space<vmem>>, %arg7: memref<!tpu.dma_semaphore, #tpu.memory_space<semaphore_mem>>) attributes {dimension_semantics = [#tpu.dimension_semantics<core_parallel>, #tpu.dimension_semantics<subcore_parallel>], iteration_bounds = array<i64: 2, 16>, scalar_prefetch = 0 : i64, scratch_operands = 3 : i64, tpu.core_type = #tpu.core_type<sc_vector_subcore>, window_params = [{transform_indices = #map}, {transform_indices = #map1}, {transform_indices = #map}]} {
    %mul3A = arith.constant 2 : i32
    %mul3A_0 = arith.muli %arg1, %mul3A : i32
    %add3A = arith.addi %mul3A_0, %arg0 : i32
    %mul3A_1 = arith.constant 288 : i32
    %mul3A_2 = arith.muli %add3A, %mul3A_1 : i32
    "tpu.region"() ({
      %run_scoped3A = tpu.sem_alloc : memref<!tpu.dma_semaphore, #tpu.memory_space<semaphore_mem>>
      %dma_start3A_7 = tpu.memref_slice %arg3[%mul3A_2] : memref<9216xi32, #tpu.memory_space<hbm>> -> memref<288xi32, #tpu.memory_space<hbm>>
      %dma_start3A_8 = tpu.memref_slice %arg3[%mul3A_2] : memref<9216xi32, #tpu.memory_space<hbm>> -> memref<288xi32, #tpu.memory_space<hbm>>
      tpu.enqueue_dma source(%dma_start3A_8 : memref<288xi32, #tpu.memory_space<hbm>>) target(%arg5 : memref<288xi32, #tpu.memory_space<vmem>>) target_semaphore(%run_scoped3A : memref<!tpu.dma_semaphore, #tpu.memory_space<semaphore_mem>>)
      %dma_wait3A_9 = tpu.memref_slice %arg3[%mul3A_2] : memref<9216xi32, #tpu.memory_space<hbm>> -> memref<288xi32, #tpu.memory_space<hbm>>
      %dma_wait3A_10 = tpu.memref_slice %arg3[%mul3A_2] : memref<9216xi32, #tpu.memory_space<hbm>> -> memref<288xi32, #tpu.memory_space<hbm>>
      tpu.wait_dma2 semaphore(%run_scoped3A : memref<!tpu.dma_semaphore, #tpu.memory_space<semaphore_mem>>) src(%dma_wait3A_10 : memref<288xi32, #tpu.memory_space<hbm>>) dst(%arg5 : memref<288xi32, #tpu.memory_space<vmem>>)
      tpu.yield
    }) : () -> ()
    %dma_start3A = arith.constant 0 : i32
    %dma_start3A_3 = arith.constant 0 : i32
    %dma_start3A_4 = tpu.memref_slice %arg2[%dma_start3A, %dma_start3A_3] : memref<1024x384xf32, #tpu.memory_space<hbm>> -> memref<1024x384xf32, #tpu.memory_space<hbm>>
    tpu.enqueue_indirect_dma source(%dma_start3A_4 : memref<1024x384xf32, #tpu.memory_space<hbm>>) target(%arg6 : memref<288x384xf32, #tpu.memory_space<vmem>>) offsets(%arg5 : memref<288xi32, #tpu.memory_space<vmem>>) semaphore(%arg7 : memref<!tpu.dma_semaphore, #tpu.memory_space<semaphore_mem>>)
    %dma_wait3A = arith.constant 0 : i32
    %dma_wait3A_5 = arith.constant 0 : i32
    %dma_wait3A_6 = tpu.memref_slice %arg2[%dma_wait3A, %dma_wait3A_5] : memref<1024x384xf32, #tpu.memory_space<hbm>> -> memref<1024x384xf32, #tpu.memory_space<hbm>>
    tpu.wait_indirect_dma semaphore(%arg7 : memref<!tpu.dma_semaphore, #tpu.memory_space<semaphore_mem>>) src(%dma_wait3A_6 : memref<1024x384xf32, #tpu.memory_space<hbm>>) dst(%arg6 : memref<288x384xf32, #tpu.memory_space<vmem>>)
    "tpu.region"() ({
      %run_scoped3A = tpu.sem_alloc : memref<!tpu.dma_semaphore, #tpu.memory_space<semaphore_mem>>
      %dma_start3A_7 = arith.constant 0 : i32
      %dma_start3A_8 = tpu.memref_slice %arg4[%mul3A_2, %dma_start3A_7] : memref<9216x384xf32, #tpu.memory_space<hbm>> -> memref<288x384xf32, #tpu.memory_space<hbm>>
      %dma_start3A_9 = arith.constant 0 : i32
      %dma_start3A_10 = tpu.memref_slice %arg4[%mul3A_2, %dma_start3A_9] : memref<9216x384xf32, #tpu.memory_space<hbm>> -> memref<288x384xf32, #tpu.memory_space<hbm>>
      tpu.enqueue_dma source(%arg6 : memref<288x384xf32, #tpu.memory_space<vmem>>) target(%dma_start3A_10 : memref<288x384xf32, #tpu.memory_space<hbm>>) target_semaphore(%run_scoped3A : memref<!tpu.dma_semaphore, #tpu.memory_space<semaphore_mem>>)
      %dma_wait3A_11 = arith.constant 0 : i32
      %dma_wait3A_12 = tpu.memref_slice %arg4[%mul3A_2, %dma_wait3A_11] : memref<9216x384xf32, #tpu.memory_space<hbm>> -> memref<288x384xf32, #tpu.memory_space<hbm>>
      %dma_wait3A_13 = arith.constant 0 : i32
      %dma_wait3A_14 = tpu.memref_slice %arg4[%mul3A_2, %dma_wait3A_13] : memref<9216x384xf32, #tpu.memory_space<hbm>> -> memref<288x384xf32, #tpu.memory_space<hbm>>
      tpu.wait_dma2 semaphore(%run_scoped3A : memref<!tpu.dma_semaphore, #tpu.memory_space<semaphore_mem>>) src(%arg6 : memref<288x384xf32, #tpu.memory_space<vmem>>) dst(%dma_wait3A_14 : memref<288x384xf32, #tpu.memory_space<hbm>>)
      tpu.yield
    }) : () -> ()
    return
  }
}

module attributes {stable_mosaic.version = 14 : i64} {
  func.func @_table_body(%arg0: memref<1024x32xf32, #tpu.memory_space<vmem>>, %arg1: memref<32x384xf32, #tpu.memory_space<vmem>>, %arg2: memref<1x384xf32, #tpu.memory_space<vmem>>, %arg3: memref<384x384xf32, #tpu.memory_space<vmem>>, %arg4: memref<1x384xf32, #tpu.memory_space<vmem>>, %arg5: memref<1x384xf32, #tpu.memory_space<vmem>>, %arg6: memref<1x384xf32, #tpu.memory_space<vmem>>, %arg7: memref<1024x384xf32, #tpu.memory_space<vmem>>, %arg8: memref<32x1024xbf16, #tpu.memory_space<vmem>>, %arg9: memref<1x1024xf32, #tpu.memory_space<vmem>>) attributes {dimension_semantics = [], scalar_prefetch = 0 : i64, scratch_operands = 0 : i64, tpu.core_type = #tpu.core_type<tc>} {
    %get3A = arith.constant 0 : index
    %get3A_0 = arith.constant 0 : index
    %get3A_1 = vector.load %arg0[%get3A, %get3A_0] : memref<1024x32xf32, #tpu.memory_space<vmem>>, vector<1024x32xf32>
    %convert_element_type3A = arith.truncf %get3A_1 : vector<1024x32xf32> to vector<1024x32xbf16>
    %get3A_2 = arith.constant 0 : index
    %get3A_3 = arith.constant 0 : index
    %get3A_4 = vector.load %arg1[%get3A_2, %get3A_3] : memref<32x384xf32, #tpu.memory_space<vmem>>, vector<32x384xf32>
    %convert_element_type3A_5 = arith.truncf %get3A_4 : vector<32x384xf32> to vector<32x384xbf16>
    %dot_general3A = arith.constant dense<0.000000e+00> : vector<1024x384xf32>
    %dot_general3A_6 = tpu.matmul %convert_element_type3A, %convert_element_type3A_5, %dot_general3A {dimension_numbers = #tpu.dot_dimension_numbers<[1], [0], [0], [1], [0, 0, 1, 1], [], []>, transpose_lhs_hint = false} : vector<1024x32xbf16>, vector<32x384xbf16>, vector<1024x384xf32> -> vector<1024x384xf32>
    %get3A_7 = arith.constant 0 : index
    %get3A_8 = arith.constant 0 : index
    %get3A_9 = vector.load %arg2[%get3A_7, %get3A_8] : memref<1x384xf32, #tpu.memory_space<vmem>>, vector<1x384xf32>
    %add3A = vector.broadcast %get3A_9 : vector<1x384xf32> to vector<1024x384xf32>
    %add3A_10 = arith.addf %dot_general3A_6, %add3A : vector<1024x384xf32>
    %max3A = arith.constant 0.000000e+00 : f32
    %max3A_11 = vector.broadcast %max3A : f32 to vector<1024x384xf32>
    %max3A_12 = arith.maximumf %add3A_10, %max3A_11 : vector<1024x384xf32>
    %convert_element_type3A_13 = arith.truncf %max3A_12 : vector<1024x384xf32> to vector<1024x384xbf16>
    %get3A_14 = arith.constant 0 : index
    %get3A_15 = arith.constant 0 : index
    %get3A_16 = vector.load %arg3[%get3A_14, %get3A_15] : memref<384x384xf32, #tpu.memory_space<vmem>>, vector<384x384xf32>
    %convert_element_type3A_17 = arith.truncf %get3A_16 : vector<384x384xf32> to vector<384x384xbf16>
    %dot_general3A_18 = arith.constant dense<0.000000e+00> : vector<1024x384xf32>
    %dot_general3A_19 = tpu.matmul %convert_element_type3A_13, %convert_element_type3A_17, %dot_general3A_18 {dimension_numbers = #tpu.dot_dimension_numbers<[1], [0], [0], [1], [0, 0, 1, 1], [], []>, transpose_lhs_hint = false} : vector<1024x384xbf16>, vector<384x384xbf16>, vector<1024x384xf32> -> vector<1024x384xf32>
    %get3A_20 = arith.constant 0 : index
    %get3A_21 = arith.constant 0 : index
    %get3A_22 = vector.load %arg4[%get3A_20, %get3A_21] : memref<1x384xf32, #tpu.memory_space<vmem>>, vector<1x384xf32>
    %add3A_23 = vector.broadcast %get3A_22 : vector<1x384xf32> to vector<1024x384xf32>
    %add3A_24 = arith.addf %dot_general3A_19, %add3A_23 : vector<1024x384xf32>
    %reduce_sum3A = arith.constant dense<0.000000e+00> : vector<1024xf32>
    %reduce_sum3A_25 = vector.multi_reduction <add>, %add3A_24, %reduce_sum3A [1] : vector<1024x384xf32> to vector<1024xf32>
    %broadcast_in_dim3A = vector.shape_cast %reduce_sum3A_25 : vector<1024xf32> to vector<1024x1xf32>
    %div3A = arith.constant 3.840000e+02 : f32
    %div3A_26 = vector.broadcast %div3A : f32 to vector<1024x1xf32>
    %div3A_27 = arith.divf %broadcast_in_dim3A, %div3A_26 : vector<1024x1xf32>
    %sub3A = vector.broadcast %div3A_27 : vector<1024x1xf32> to vector<1024x384xf32>
    %sub3A_28 = arith.subf %add3A_24, %sub3A : vector<1024x384xf32>
    %integer_pow3A = arith.mulf %sub3A_28, %sub3A_28 : vector<1024x384xf32>
    %reduce_sum3A_29 = arith.constant dense<0.000000e+00> : vector<1024xf32>
    %reduce_sum3A_30 = vector.multi_reduction <add>, %integer_pow3A, %reduce_sum3A_29 [1] : vector<1024x384xf32> to vector<1024xf32>
    %broadcast_in_dim3A_31 = vector.shape_cast %reduce_sum3A_30 : vector<1024xf32> to vector<1024x1xf32>
    %div3A_32 = arith.constant 3.840000e+02 : f32
    %div3A_33 = vector.broadcast %div3A_32 : f32 to vector<1024x1xf32>
    %div3A_34 = arith.divf %broadcast_in_dim3A_31, %div3A_33 : vector<1024x1xf32>
    %sub3A_35 = vector.broadcast %div3A_27 : vector<1024x1xf32> to vector<1024x384xf32>
    %sub3A_36 = arith.subf %add3A_24, %sub3A_35 : vector<1024x384xf32>
    %add3A_37 = arith.constant 9.99999974E-6 : f32
    %add3A_38 = vector.broadcast %add3A_37 : f32 to vector<1024x1xf32>
    %add3A_39 = arith.addf %div3A_34, %add3A_38 : vector<1024x1xf32>
    %sqrt3A = math.sqrt %add3A_39 : vector<1024x1xf32>
    %div3A_40 = vector.broadcast %sqrt3A : vector<1024x1xf32> to vector<1024x384xf32>
    %div3A_41 = arith.divf %sub3A_36, %div3A_40 : vector<1024x384xf32>
    %get3A_42 = arith.constant 0 : index
    %get3A_43 = arith.constant 0 : index
    %get3A_44 = vector.load %arg5[%get3A_42, %get3A_43] : memref<1x384xf32, #tpu.memory_space<vmem>>, vector<1x384xf32>
    %mul3A = vector.broadcast %get3A_44 : vector<1x384xf32> to vector<1024x384xf32>
    %mul3A_45 = arith.mulf %div3A_41, %mul3A : vector<1024x384xf32>
    %get3A_46 = arith.constant 0 : index
    %get3A_47 = arith.constant 0 : index
    %get3A_48 = vector.load %arg6[%get3A_46, %get3A_47] : memref<1x384xf32, #tpu.memory_space<vmem>>, vector<1x384xf32>
    %add3A_49 = vector.broadcast %get3A_48 : vector<1x384xf32> to vector<1024x384xf32>
    %add3A_50 = arith.addf %mul3A_45, %add3A_49 : vector<1024x384xf32>
    %swap3A = arith.constant 0 : index
    %swap3A_51 = arith.constant 0 : index
    %swap3A_52 = vector.load %arg7[%swap3A, %swap3A_51] : memref<1024x384xf32, #tpu.memory_space<vmem>>, vector<1024x384xf32>
    tpu.vector_store %arg7[%swap3A, %swap3A_51], %add3A_50 {strides = array<i32>} : memref<1024x384xf32, #tpu.memory_space<vmem>>, vector<1024x384xf32>,
    %transpose3A = tpu.transpose %get3A_1, [1, 0] : vector<1024x32xf32> -> vector<32x1024xf32>
    %convert_element_type3A_53 = arith.truncf %transpose3A : vector<32x1024xf32> to vector<32x1024xbf16>
    %swap3A_54 = arith.constant 0 : index
    %swap3A_55 = arith.constant 0 : index
    %swap3A_56 = vector.load %arg8[%swap3A_54, %swap3A_55] : memref<32x1024xbf16, #tpu.memory_space<vmem>>, vector<32x1024xbf16>
    tpu.vector_store %arg8[%swap3A_54, %swap3A_55], %convert_element_type3A_53 {strides = array<i32>} : memref<32x1024xbf16, #tpu.memory_space<vmem>>, vector<32x1024xbf16>,
    %mul3A_57 = arith.mulf %transpose3A, %transpose3A : vector<32x1024xf32>
    %reduce_sum3A_58 = arith.constant dense<0.000000e+00> : vector<1024xf32>
    %reduce_sum3A_59 = vector.multi_reduction <add>, %mul3A_57, %reduce_sum3A_58 [0] : vector<32x1024xf32> to vector<1024xf32>
    %broadcast_in_dim3A_60 = vector.shape_cast %reduce_sum3A_59 : vector<1024xf32> to vector<1x1024xf32>
    %swap3A_61 = arith.constant 0 : index
    %swap3A_62 = arith.constant 0 : index
    %swap3A_63 = vector.load %arg9[%swap3A_61, %swap3A_62] : memref<1x1024xf32, #tpu.memory_space<vmem>>, vector<1x1024xf32>
    tpu.vector_store %arg9[%swap3A_61, %swap3A_62], %broadcast_in_dim3A_60 {strides = array<i32>} : memref<1x1024xf32, #tpu.memory_space<vmem>>, vector<1x1024xf32>,
    return
  }
}

module attributes {stable_mosaic.version = 14 : i64} {
  func.func @_front_body(%arg0: i32, %arg1: memref<2x384x576xf32, #tpu.memory_space<vmem>>, %arg2: memref<384x384xbf16, #tpu.memory_space<vmem>>, %arg3: memref<1x384xf32, #tpu.memory_space<vmem>>, %arg4: memref<384x32xbf16, #tpu.memory_space<vmem>>, %arg5: memref<1x32xf32, #tpu.memory_space<vmem>>, %arg6: memref<1x32xf32, #tpu.memory_space<vmem>>, %arg7: memref<1x32xf32, #tpu.memory_space<vmem>>, %arg8: memref<32x1024xbf16, #tpu.memory_space<vmem>>, %arg9: memref<1x1024xf32, #tpu.memory_space<vmem>>, %arg10: memref<1x1x1152xi32, #tpu.memory_space<vmem>>, %arg11: memref<1x1152x1024xf32, #tpu.memory_space<vmem>>) attributes {dimension_semantics = [#tpu.dimension_semantics<arbitrary>], iteration_bounds = array<i64: 8>, scalar_prefetch = 0 : i64, scratch_operands = 0 : i64, tpu.core_type = #tpu.core_type<tc>, window_params = [{transform_indices = @transform_0, window_bounds = array<i64: 2, 384, 576>}, {pipeline_mode = #tpu.pipeline_mode<synchronous>, transform_indices = @transform_1, window_bounds = array<i64: 384, 384>}, {pipeline_mode = #tpu.pipeline_mode<synchronous>, transform_indices = @transform_2, window_bounds = array<i64: 1, 384>}, {pipeline_mode = #tpu.pipeline_mode<synchronous>, transform_indices = @transform_3, window_bounds = array<i64: 384, 32>}, {pipeline_mode = #tpu.pipeline_mode<synchronous>, transform_indices = @transform_4, window_bounds = array<i64: 1, 32>}, {pipeline_mode = #tpu.pipeline_mode<synchronous>, transform_indices = @transform_5, window_bounds = array<i64: 1, 32>}, {pipeline_mode = #tpu.pipeline_mode<synchronous>, transform_indices = @transform_6, window_bounds = array<i64: 1, 32>}, {pipeline_mode = #tpu.pipeline_mode<synchronous>, transform_indices = @transform_7, window_bounds = array<i64: 32, 1024>}, {pipeline_mode = #tpu.pipeline_mode<synchronous>, transform_indices = @transform_8, window_bounds = array<i64: 1, 1024>}, {transform_indices = @transform_9, window_bounds = array<i64: 1, 1, 1152>}, {transform_indices = @transform_10, window_bounds = array<i64: 1, 1152, 1024>}]} {
    %get3A = arith.constant 0 : index
    %get3A_0 = arith.constant 0 : index
    %get3A_1 = vector.load %arg2[%get3A, %get3A_0] : memref<384x384xbf16, #tpu.memory_space<vmem>>, vector<384x384xbf16>
    %get3A_2 = arith.constant 0 : index
    %get3A_3 = arith.constant 0 : index
    %get3A_4 = arith.constant 0 : index
    %get3A_5 = vector.load %arg1[%get3A_2, %get3A_3, %get3A_4] : memref<2x384x576xf32, #tpu.memory_space<vmem>>, vector<1x384x576xf32>
    %get3A_6 = vector.shape_cast %get3A_5 : vector<1x384x576xf32> to vector<384x576xf32>
    %convert_element_type3A = arith.truncf %get3A_6 : vector<384x576xf32> to vector<384x576xbf16>
    %dot_general3A = arith.constant dense<0.000000e+00> : vector<576x384xf32>
    %dot_general3A_7 = tpu.matmul %convert_element_type3A, %get3A_1, %dot_general3A {dimension_numbers = #tpu.dot_dimension_numbers<[0], [0], [1], [1], [0, 1, 1, 1], [], []>, transpose_lhs_hint = false} : vector<384x576xbf16>, vector<384x384xbf16>, vector<576x384xf32> -> vector<576x384xf32>
    %get3A_8 = arith.constant 1 : index
    %get3A_9 = arith.constant 0 : index
    %get3A_10 = arith.constant 0 : index
    %get3A_11 = vector.load %arg1[%get3A_8, %get3A_9, %get3A_10] : memref<2x384x576xf32, #tpu.memory_space<vmem>>, vector<1x384x576xf32>
    %get3A_12 = vector.shape_cast %get3A_11 : vector<1x384x576xf32> to vector<384x576xf32>
    %convert_element_type3A_13 = arith.truncf %get3A_12 : vector<384x576xf32> to vector<384x576xbf16>
    %dot_general3A_14 = arith.constant dense<0.000000e+00> : vector<576x384xf32>
    %dot_general3A_15 = tpu.matmul %convert_element_type3A_13, %get3A_1, %dot_general3A_14 {dimension_numbers = #tpu.dot_dimension_numbers<[0], [0], [1], [1], [0, 1, 1, 1], [], []>, transpose_lhs_hint = false} : vector<384x576xbf16>, vector<384x384xbf16>, vector<576x384xf32> -> vector<576x384xf32>
    %concatenate3A = tpu.concatenate %dot_general3A_7, %dot_general3A_15 in 0 : vector<576x384xf32>, vector<576x384xf32> -> vector<1152x384xf32>
    %get3A_16 = arith.constant 0 : index
    %get3A_17 = arith.constant 0 : index
    %get3A_18 = vector.load %arg3[%get3A_16, %get3A_17] : memref<1x384xf32, #tpu.memory_space<vmem>>, vector<1x384xf32>
    %add3A = vector.broadcast %get3A_18 : vector<1x384xf32> to vector<1152x384xf32>
    %add3A_19 = arith.addf %concatenate3A, %add3A : vector<1152x384xf32>
    %max3A = arith.constant 0.000000e+00 : f32
    %max3A_20 = vector.broadcast %max3A : f32 to vector<1152x384xf32>
    %max3A_21 = arith.maximumf %add3A_19, %max3A_20 : vector<1152x384xf32>
    %convert_element_type3A_22 = arith.truncf %max3A_21 : vector<1152x384xf32> to vector<1152x384xbf16>
    %get3A_23 = arith.constant 0 : index
    %get3A_24 = arith.constant 0 : index
    %get3A_25 = vector.load %arg4[%get3A_23, %get3A_24] : memref<384x32xbf16, #tpu.memory_space<vmem>>, vector<384x32xbf16>
    %dot_general3A_26 = arith.constant dense<0.000000e+00> : vector<1152x32xf32>
    %dot_general3A_27 = tpu.matmul %convert_element_type3A_22, %get3A_25, %dot_general3A_26 {dimension_numbers = #tpu.dot_dimension_numbers<[1], [0], [0], [1], [0, 0, 1, 1], [], []>, transpose_lhs_hint = false} : vector<1152x384xbf16>, vector<384x32xbf16>, vector<1152x32xf32> -> vector<1152x32xf32>
    %get3A_28 = arith.constant 0 : index
    %get3A_29 = arith.constant 0 : index
    %get3A_30 = vector.load %arg5[%get3A_28, %get3A_29] : memref<1x32xf32, #tpu.memory_space<vmem>>, vector<1x32xf32>
    %add3A_31 = vector.broadcast %get3A_30 : vector<1x32xf32> to vector<1152x32xf32>
    %add3A_32 = arith.addf %dot_general3A_27, %add3A_31 : vector<1152x32xf32>
    %reduce_sum3A = arith.constant dense<0.000000e+00> : vector<1152xf32>
    %reduce_sum3A_33 = vector.multi_reduction <add>, %add3A_32, %reduce_sum3A [1] : vector<1152x32xf32> to vector<1152xf32>
    %broadcast_in_dim3A = vector.shape_cast %reduce_sum3A_33 : vector<1152xf32> to vector<1152x1xf32>
    %div3A = arith.constant 3.200000e+01 : f32
    %div3A_34 = vector.broadcast %div3A : f32 to vector<1152x1xf32>
    %div3A_35 = arith.divf %broadcast_in_dim3A, %div3A_34 : vector<1152x1xf32>
    %sub3A = vector.broadcast %div3A_35 : vector<1152x1xf32> to vector<1152x32xf32>
    %sub3A_36 = arith.subf %add3A_32, %sub3A : vector<1152x32xf32>
    %integer_pow3A = arith.mulf %sub3A_36, %sub3A_36 : vector<1152x32xf32>
    %reduce_sum3A_37 = arith.constant dense<0.000000e+00> : vector<1152xf32>
    %reduce_sum3A_38 = vector.multi_reduction <add>, %integer_pow3A, %reduce_sum3A_37 [1] : vector<1152x32xf32> to vector<1152xf32>
    %broadcast_in_dim3A_39 = vector.shape_cast %reduce_sum3A_38 : vector<1152xf32> to vector<1152x1xf32>
    %div3A_40 = arith.constant 3.200000e+01 : f32
    %div3A_41 = vector.broadcast %div3A_40 : f32 to vector<1152x1xf32>
    %div3A_42 = arith.divf %broadcast_in_dim3A_39, %div3A_41 : vector<1152x1xf32>
    %sub3A_43 = vector.broadcast %div3A_35 : vector<1152x1xf32> to vector<1152x32xf32>
    %sub3A_44 = arith.subf %add3A_32, %sub3A_43 : vector<1152x32xf32>
    %add3A_45 = arith.constant 9.99999974E-6 : f32
    %add3A_46 = vector.broadcast %add3A_45 : f32 to vector<1152x1xf32>
    %add3A_47 = arith.addf %div3A_42, %add3A_46 : vector<1152x1xf32>
    %sqrt3A = math.sqrt %add3A_47 : vector<1152x1xf32>
    %div3A_48 = vector.broadcast %sqrt3A : vector<1152x1xf32> to vector<1152x32xf32>
    %div3A_49 = arith.divf %sub3A_44, %div3A_48 : vector<1152x32xf32>
    %get3A_50 = arith.constant 0 : index
    %get3A_51 = arith.constant 0 : index
    %get3A_52 = vector.load %arg6[%get3A_50, %get3A_51] : memref<1x32xf32, #tpu.memory_space<vmem>>, vector<1x32xf32>
    %mul3A = vector.broadcast %get3A_52 : vector<1x32xf32> to vector<1152x32xf32>
    %mul3A_53 = arith.mulf %div3A_49, %mul3A : vector<1152x32xf32>
    %get3A_54 = arith.constant 0 : index
    %get3A_55 = arith.constant 0 : index
    %get3A_56 = vector.load %arg7[%get3A_54, %get3A_55] : memref<1x32xf32, #tpu.memory_space<vmem>>, vector<1x32xf32>
    %add3A_57 = vector.broadcast %get3A_56 : vector<1x32xf32> to vector<1152x32xf32>
    %add3A_58 = arith.addf %mul3A_53, %add3A_57 : vector<1152x32xf32>
    %get3A_59 = arith.constant 0 : index
    %get3A_60 = arith.constant 0 : index
    %get3A_61 = vector.load %arg9[%get3A_59, %get3A_60] : memref<1x1024xf32, #tpu.memory_space<vmem>>, vector<1x1024xf32>
    %convert_element_type3A_62 = arith.truncf %add3A_58 : vector<1152x32xf32> to vector<1152x32xbf16>
    %get3A_63 = arith.constant 0 : index
    %get3A_64 = arith.constant 0 : index
    %get3A_65 = vector.load %arg8[%get3A_63, %get3A_64] : memref<32x1024xbf16, #tpu.memory_space<vmem>>, vector<32x1024xbf16>
    %dot_general3A_66 = arith.constant dense<0.000000e+00> : vector<1152x1024xf32>
    %dot_general3A_67 = tpu.matmul %convert_element_type3A_62, %get3A_65, %dot_general3A_66 {dimension_numbers = #tpu.dot_dimension_numbers<[1], [0], [0], [1], [0, 0, 1, 1], [], []>, transpose_lhs_hint = false} : vector<1152x32xbf16>, vector<32x1024xbf16>, vector<1152x1024xf32> -> vector<1152x1024xf32>
    %mul3A_68 = arith.constant 2.000000e+00 : f32
    %mul3A_69 = vector.broadcast %mul3A_68 : f32 to vector<1152x1024xf32>
    %mul3A_70 = arith.mulf %mul3A_69, %dot_general3A_67 : vector<1152x1024xf32>
    %sub3A_71 = vector.broadcast %get3A_61 : vector<1x1024xf32> to vector<1152x1024xf32>
    %sub3A_72 = arith.subf %sub3A_71, %mul3A_70 : vector<1152x1024xf32>
    %iota3A = tpu.iota {dimensions = array<i32: 1>} : vector<1152x1024xi32>
    %reduce_min3A = arith.constant dense<0x7F800000> : vector<1152xf32>
    %reduce_min3A_73 = vector.multi_reduction <minimumf>, %sub3A_72, %reduce_min3A [1] : vector<1152x1024xf32> to vector<1152xf32>
    %broadcast_in_dim3A_74 = vector.shape_cast %reduce_min3A_73 : vector<1152xf32> to vector<1152x1xf32>
    %eq3A = vector.broadcast %broadcast_in_dim3A_74 : vector<1152x1xf32> to vector<1152x1024xf32>
    %eq3A_75 = arith.cmpf oeq, %sub3A_72, %eq3A : vector<1152x1024xf32>
    %jit3A = arith.constant 1024 : i32
    %broadcast_in_dim3A_76 = vector.broadcast %jit3A : i32 to vector<1152x1024xi32>
    %select_n3A = arith.select %eq3A_75, %iota3A, %broadcast_in_dim3A_76 : vector<1152x1024xi1>, vector<1152x1024xi32>
    %reduce_min3A_77 = arith.constant dense<2147483647> : vector<1152xi32>
    %reduce_min3A_78 = vector.multi_reduction <minsi>, %select_n3A, %reduce_min3A_77 [1] : vector<1152x1024xi32> to vector<1152xi32>
    %swap3A = arith.constant 0 : index
    %swap3A_79 = arith.constant 0 : index
    %swap3A_80 = arith.constant 0 : index
    %swap3A_81 = vector.load %arg10[%swap3A, %swap3A_79, %swap3A_80] : memref<1x1x1152xi32, #tpu.memory_space<vmem>>, vector<1x1x1152xi32>
    %swap3A_82 = vector.shape_cast %swap3A_81 : vector<1x1x1152xi32> to vector<1152xi32>
    %swap3A_83 = vector.shape_cast %reduce_min3A_78 : vector<1152xi32> to vector<1x1x1152xi32>
    tpu.vector_store %arg10[%swap3A, %swap3A_79, %swap3A_80], %swap3A_83 {strides = array<i32>} : memref<1x1x1152xi32, #tpu.memory_space<vmem>>, vector<1x1x1152xi32>,
    %broadcast_in_dim3A_84 = vector.shape_cast %reduce_min3A_78 : vector<1152xi32> to vector<1152x1xi32>
    %eq3A_85 = vector.broadcast %broadcast_in_dim3A_84 : vector<1152x1xi32> to vector<1152x1024xi32>
    %eq3A_86 = arith.cmpi eq, %iota3A, %eq3A_85 : vector<1152x1024xi32>
    %convert_element_type3A_87 = arith.extui %eq3A_86 : vector<1152x1024xi1> to vector<1152x1024xi32>
    %convert_element_type3A_88 = arith.sitofp %convert_element_type3A_87 : vector<1152x1024xi32> to vector<1152x1024xf32>
    %swap3A_89 = arith.constant 0 : index
    %swap3A_90 = arith.constant 0 : index
    %swap3A_91 = arith.constant 0 : index
    %swap3A_92 = vector.load %arg11[%swap3A_89, %swap3A_90, %swap3A_91] : memref<1x1152x1024xf32, #tpu.memory_space<vmem>>, vector<1x1152x1024xf32>
    %swap3A_93 = vector.shape_cast %swap3A_92 : vector<1x1152x1024xf32> to vector<1152x1024xf32>
    %swap3A_94 = vector.shape_cast %convert_element_type3A_88 : vector<1152x1024xf32> to vector<1x1152x1024xf32>
    tpu.vector_store %arg11[%swap3A_89, %swap3A_90, %swap3A_91], %swap3A_94 {strides = array<i32>} : memref<1x1152x1024xf32, #tpu.memory_space<vmem>>, vector<1x1152x1024xf32>,
    return
  }
  func.func @transform_0(%arg0: i32) -> (i32, i32, i32) {
    %c0_i32 = arith.constant 0 : i32
    %c0_i32_0 = arith.constant 0 : i32
    %c0_i32_1 = arith.constant 0 : i32
    return %arg0, %c0_i32, %c0_i32_0 : i32, i32, i32
  }
  func.func @transform_1(%arg0: i32) -> (i32, i32) {
    %c0_i32 = arith.constant 0 : i32
    %c0_i32_0 = arith.constant 0 : i32
    %c0_i32_1 = arith.constant 0 : i32
    return %c0_i32, %c0_i32_0 : i32, i32
  }
  func.func @transform_2(%arg0: i32) -> (i32, i32) {
    %c0_i32 = arith.constant 0 : i32
    %c0_i32_0 = arith.constant 0 : i32
    %c0_i32_1 = arith.constant 0 : i32
    return %c0_i32, %c0_i32_0 : i32, i32
  }
  func.func @transform_3(%arg0: i32) -> (i32, i32) {
    %c0_i32 = arith.constant 0 : i32
    %c0_i32_0 = arith.constant 0 : i32
    %c0_i32_1 = arith.constant 0 : i32
    return %c0_i32, %c0_i32_0 : i32, i32
  }
  func.func @transform_4(%arg0: i32) -> (i32, i32) {
    %c0_i32 = arith.constant 0 : i32
    %c0_i32_0 = arith.constant 0 : i32
    %c0_i32_1 = arith.constant 0 : i32
    return %c0_i32, %c0_i32_0 : i32, i32
  }
  func.func @transform_5(%arg0: i32) -> (i32, i32) {
    %c0_i32 = arith.constant 0 : i32
    %c0_i32_0 = arith.constant 0 : i32
    %c0_i32_1 = arith.constant 0 : i32
    return %c0_i32, %c0_i32_0 : i32, i32
  }
  func.func @transform_6(%arg0: i32) -> (i32, i32) {
    %c0_i32 = arith.constant 0 : i32
    %c0_i32_0 = arith.constant 0 : i32
    %c0_i32_1 = arith.constant 0 : i32
    return %c0_i32, %c0_i32_0 : i32, i32
  }
  func.func @transform_7(%arg0: i32) -> (i32, i32) {
    %c0_i32 = arith.constant 0 : i32
    %c0_i32_0 = arith.constant 0 : i32
    %c0_i32_1 = arith.constant 0 : i32
    return %c0_i32, %c0_i32_0 : i32, i32
  }
  func.func @transform_8(%arg0: i32) -> (i32, i32) {
    %c0_i32 = arith.constant 0 : i32
    %c0_i32_0 = arith.constant 0 : i32
    %c0_i32_1 = arith.constant 0 : i32
    return %c0_i32, %c0_i32_0 : i32, i32
  }
  func.func @transform_9(%arg0: i32) -> (i32, i32, i32) {
    %c0_i32 = arith.constant 0 : i32
    %c0_i32_0 = arith.constant 0 : i32
    %c0_i32_1 = arith.constant 0 : i32
    return %arg0, %c0_i32, %c0_i32_0 : i32, i32, i32
  }
  func.func @transform_10(%arg0: i32) -> (i32, i32, i32) {
    %c0_i32 = arith.constant 0 : i32
    %c0_i32_0 = arith.constant 0 : i32
    %c0_i32_1 = arith.constant 0 : i32
    return %arg0, %c0_i32, %c0_i32_0 : i32, i32, i32
  }
}

</mosaic_0001>

<sc_bundles>
// kernel: kernel.5.cloned.1.call-start
scs
__scs_entry_jumppad:
0x0: {  	(pc) =	sbr.rel $0x88, $3  }
0x1: {  	(tag) =	ssettag $0x0;
	lr =	simm.s32 $0x1  }
0x2: {  	[smem:$0x3F93] =	sst lr;
	_ =	strace $0xD0000000  }
0x3: {  	_ = 	snop  }
0x4: {  	_ = 	snop  }
0x5: {  	_ = 	snop  }
0x6: {  	_ = 	snop  }
0x7: {  	_ = 	snop  }
__scs_overlays_trampoline_lowered:
0x8: {  	[smem:$0x3FA2] =	sst s0  }
0x9: {  	[smem:$0x3FA3] =	sst s1  }
0xa: {  	[smem:$0x3FA4] =	sst s2  }
0xb: {  	[smem:$0x3FA5] =	sst s3  }
0xc: {  	[smem:$0x3FA6] =	sst s4  }
0xd: {  	[smem:$0x3FA7] =	sst s5  }
0xe: {  	[smem:$0x3FA8] =	sst s6  }
0xf: {  	[smem:$0x3FA9] =	sst s7  }
0x10: {  	[smem:$0x3FAA] =	sst s8  }
0x11: {  	[smem:$0x3FAB] =	sst s9;
	s0 =	simm.s32 @!p0 $0x0  }
0x12: {  	s1 =	sld [smem:$0x3F91];
	s0 =	simm.s32 @p0 $0x1  }
0x13: {  	[smem:$0x3FAC] =	sst s0;
	s0 =	simm.s32 @!p1 $0x0  }
0x14: {  	s2 =	sld [smem:$0x3F90];
	s0 =	simm.s32 @p1 $0x1  }
0x15: {  	[smem:$0x3FAD] =	sst s0;
	s0 =	simm.s32 @!p2 $0x0  }
0x16: {  	s3 =	sld [smem:$0x3FDB];
	s0 =	simm.s32 @p2 $0x1  }
0x17: {  	s4 =	simm.s32 $0x1BF5;
	[smem:$0x3FAF] =	sst s0  }
0x18: {  	s0 =	sld [smem:$0x3F92];
	_ =	swait.ge [sflag:s4], $0x0  }
0x19: {  	s7 =	sld [smem:$0x3F93]  }
0x1a: {  	s8 =	sadd.s32 $0xFFFFE003, lr  }
0x1b: {  	s9 =	sadd.s32 $0xFFFFFEF7, lr;
	s5 =	simm.s32 $0xFFFFFFFF;
	p2 =	slt.u32 s8, $0xFFFFF086  }
0x1c: {  	p1 =	slt.u32 s9, $0xF7A;
	s5 =	simm.s32 @!p2 $0x0  }
0x1d: {  	s5 =	simm.s32 @p1 $0x1;
	p0 =	seq.s32 s7, s2  }
0x1e: {  	s7 =	smul.u32 @!p0 $0xF7A, s2;
	p2 =	seq.s32 @!p0 s5, $0x0  }
0x1f: {  	s9 =	smul.u32 $0xF7A, s1;
	s8 =	simm.s32 @!p0 $0x1BF5;
	p2 =	por !p2, p0  }
0x20: {  	[sflag:s8] =	ssyncset.s32 @!p0 $0xFFFFF086;
	s6 =	sadd.s32 @!p0 s3, s7;
	s7 =	simm.s32 @!p0 $0x108  }
0x21: {  	s3 =	sadd.s32 s3, s9;
	s6 =	sadd.s32 @!p0 $0x88, s6;
	s7 =	simm.s32 @p2 $0x1082  }
0x22: {  	[simem:s7], [sflag:s8] =	dma.local @!p0 [hbm:s6], $0xF7A  }
0x23: {  	s9 =	sor.u32 $0xD0000000, s2;
	s6 =	simm.s32 $0x108;
	_ =	swait.ge @!p0 [sflag:s8], $0x0  }
0x24: {  	s3 =	sadd.s32 $0x88, s3;
	s6 =	simm.s32 @!p1 $0x1082;
	[sflag:s4] =	ssyncset.s32 $0xFFFFF086  }
0x25: {  	[simem:s6], [sflag:s4] =	dma.local [hbm:s3], $0xF7A  }
0x26: {  	[smem:$0x3F93] =	sst s1;
	(tag) =	ssettag s2;
	_ =	strace s9  }
0x27: {  	s1 =	sld [smem:$0x3FA3]  }
0x28: {  	s2 =	sld [smem:$0x3FA4]  }
0x29: {  	s4 =	sld [smem:$0x3FA6]  }
0x2a: {  	p0 =	seq.s32 s5, $0x0;
	s5 =	sld [smem:$0x3FA7]  }
0x2b: {  	s6 =	sld [smem:$0x3FA8]  }
0x2c: {  	s7 =	sld [smem:$0x3FA9]  }
0x2d: {  	s3 =	simm.s32 $0x108;
	s8 =	sld [smem:$0x3FAA]  }
0x2e: {  	s3 =	simm.s32 @!p0 $0x1082;
	s9 =	sld [smem:$0x3FAB]  }
0x2f: {  	lr =	sadd.s32 s0, s3;
	s0 =	sld [smem:$0x3FA2]  }
0x30: {  	s3 =	sld [smem:$0x3FA5]  }
0x31: {  	[smem:$0x3FAE] =	sst s10  }
0x32: {  	s10 =	sld [smem:$0x3FAC];
	_ =	sdelay $0x3  }
0x33: {  	p0 =	seq.s32 s10, $0x1;
	s10 =	sld [smem:$0x3FAE];
	_ =	sdelay $0x3  }
0x34: {  	[smem:$0x3FAE] =	sst s10  }
0x35: {  	s10 =	sld [smem:$0x3FAD];
	_ =	sdelay $0x3  }
0x36: {  	p1 =	seq.s32 s10, $0x1;
	s10 =	sld [smem:$0x3FAE];
	_ =	sdelay $0x3  }
0x37: {  	[smem:$0x3FAE] =	sst s10  }
0x38: {  	s10 =	sld [smem:$0x3FAF]  }
0x39: {  	_ = 	snop;
	(pc) =	sbr.ind lr, $3  }
0x3a: {  	_ = 	snop  }
0x3b: {  	_ = 	snop  }
0x3c: {  	p2 =	seq.s32 s10, $0x1;
	s10 =	sld [smem:$0x3FAE]  }
0x3d: {  	_ =	shalt  }
0x3e: {  	_ =	shalt  }
0x3f: {  	_ =	shalt  }
0x40: {  	_ =	shalt  }
0x41: {  	_ =	shalt  }
0x42: {  	_ =	shalt  }
0x43: {  	_ =	shalt  }
0x44: {  	_ =	shalt  }
0x45: {  	_ =	shalt  }
0x46: {  	_ =	shalt  }
0x47: {  	_ =	shalt  }
0x48: {  	_ =	shalt  }
0x49: {  	_ =	shalt  }
0x4a: {  	_ =	shalt  }
0x4b: {  	_ =	shalt  }
0x4c: {  	_ =	shalt  }
0x4d: {  	_ =	shalt  }
0x4e: {  	_ =	shalt  }
0x4f: {  	_ =	shalt  }
0x50: {  	_ =	shalt  }
0x51: {  	_ =	shalt  }
0x52: {  	_ =	shalt  }
0x53: {  	_ =	shalt  }
0x54: {  	_ =	shalt  }
0x55: {  	_ =	shalt  }
0x56: {  	_ =	shalt  }
0x57: {  	_ =	shalt  }
0x58: {  	_ =	shalt  }
0x59: {  	_ =	shalt  }
0x5a: {  	_ =	shalt  }
0x5b: {  	_ =	shalt  }
0x5c: {  	_ =	shalt  }
0x5d: {  	_ =	shalt  }
0x5e: {  	_ =	shalt  }
0x5f: {  	_ =	shalt  }
0x60: {  	_ =	shalt  }
0x61: {  	_ =	shalt  }
0x62: {  	_ =	shalt  }
0x63: {  	_ =	shalt  }
0x64: {  	_ =	shalt  }
0x65: {  	_ =	shalt  }
0x66: {  	_ =	shalt  }
0x67: {  	_ =	shalt  }
0x68: {  	_ =	shalt  }
0x69: {  	_ =	shalt  }
0x6a: {  	_ =	shalt  }
0x6b: {  	_ =	shalt  }
0x6c: {  	_ =	shalt  }
0x6d: {  	_ =	shalt  }
0x6e: {  	_ =	shalt  }
0x6f: {  	_ =	shalt  }
0x70: {  	_ =	shalt  }
0x71: {  	_ =	shalt  }
0x72: {  	_ =	shalt  }
0x73: {  	_ =	shalt  }
0x74: {  	_ =	shalt  }
0x75: {  	_ =	shalt  }
0x76: {  	_ =	shalt  }
0x77: {  	_ =	shalt  }
0x78: {  	_ =	shalt  }
0x79: {  	_ =	shalt  }
0x7a: {  	_ =	shalt  }
0x7b: {  	_ =	shalt  }
0x7c: {  	_ =	shalt  }
0x7d: {  	_ =	shalt  }
0x7e: {  	_ =	shalt  }
0x7f: {  	_ =	shalt  }
0x80: {  	_ =	shalt  }
0x81: {  	_ =	shalt  }
0x82: {  	_ =	shalt  }
0x83: {  	_ =	shalt  }
0x84: {  	_ =	shalt  }
0x85: {  	_ =	shalt  }
0x86: {  	_ =	shalt  }
0x87: {  	_ =	shalt  }
.Lfunc_end0:
.L_simem_size_0:
called_computation_lowered:
.L_overlay_start_0:
0x88: {  	s2 =	sld [smem:$0x3FD9]  }
0x89: {  	s3 =	sld [smem:$0x3FFE];
	_ =	sdelay $0x1  }
0x8a: {  	s1 =	srdreg.scid  }
0x8b: {  	s0 =	sand.u32 $0x1, s1  }
0x8c: {  	s14 =	sshll.u32 s0, $0xA;
	s2 =	sadd.s32 s3, s2  }
0x8d: {  	s2 =	sadd.s32 s2, s14  }
0x8e: {  	[smem:$0x3FBA] =	sst s2  }
0x8f: {  	_ = 	snop  }
0x90: {  	s2 =	sld [smem:$0x3FD0];
	_ =	sdelay $0x2  }
0x91: {  	s15 =	simm.s32 $0xA;
	s4 =	simm.s32 $0x10  }
0x92: {  	[smem:s4], [sflag:s15] =	dma.local [hbm:s2], $0x1  }
0x93: {  	_ =	swait.eq [sflag:s15], $0x1  }
0x94: {  	[sflag:s15] =	ssyncset.done $0x0  }
0x95: {  	s16 =	sld [smem:$0x10];
	[sflag:s15] =	ssyncadd.s32 $0xFFFFFFFF  }
0x96: {  	s17 =	sld [smem:$0x11];
	(tm) =	ssettm $0x1  }
0x97: {  	s18 =	sld [smem:$0x3FFB];
	_ =	sdelay $0x3  }
0x98: {  	_ =	strace s18  }
0x99: {  	s4 =	sld [smem:$0x3FFC];
	_ =	sdelay $0x3  }
0x9a: {  	_ =	strace s4  }
0x9b: {  	s4 =	sld [smem:$0x3FFD];
	_ =	sdelay $0x3  }
0x9c: {  	_ =	strace s4  }
0x9d: {  	_ =	strace $0x8FFFFFFF  }
0x9e: {  	s19 =	sld [smem:$0x3FDB];
	_ =	sdelay $0x1  }
0x9f: {  	s5 =	simm.s32 $_scs_section_size  }
0xa0: {  	s6 =	simm.s32 $_size__tile_overlayer_lowered;
	s7 =	simm.s32 $_tile_overlayer_lowered  }
0xa1: {  	s22 =	simm.s32 $0x1BFF;
	s21 =	sshll.u32 s7, $0x1;
	s4 =	sadd.s32 s5, s19  }
0xa2: {  	s8 =	simm.s32 $0x0;
	s20 =	sshll.u32 s6, $0x1;
	s6 =	sadd.s32 s21, s4  }
0xa3: {  	[timem:s8], [sflag:s22] =	dma.local [hbm:s6], s20  }
0xa4: {  	_ =	swait.ge [sflag:s22], s20  }
0xa5: {  	s5 =	ssub.s32 $0x0, s20;
	[sflag:s22] =	ssyncset.done $0x0  }
0xa6: {  	[sflag:s22] =	ssyncadd.s32 s5;
	_ =	sdelay $0x1  }
0xa7: {  	s23 =	simm.s32 $0x1B8B  }
0xa8: {  	_ =	swait.ge [sflag:s23], $0x1  }
0xa9: {  	[sflag:s23] =	ssyncset.done $0x0  }
0xaa: {  	s25 =	simm.s32 $0x1B8E;
	s24 =	sld [smem:$0x3FFE];
	[sflag:s23] =	ssyncadd.s32 $0xFFFFFFFF  }
0xab: {  	s26 =	simm.s32 $execute0_lowered;
	[smem:$0x3FD2] =	sst s25  }
0xac: {  	s6 =	sshll.u32 s26, $0x1;
	_ =	strace $0x80000046;
	[dreg:$0x1] =	wrdreg $0xFFFFFFFF  }
0xad: {  	s28 =	simm.s32 $_size_execute0_lowered;
	s4 =	sadd.s32 s4, s6;
	[dreg:$0x0] =	wrdreg $0x0  }
0xae: {  	s6 =	sshll.u32 s28, $0x1;
	[dreg:$0x2] =	wrdreg s4  }
0xaf: {  	[dreg:$0x3] =	wrdreg s6  }
0xb0: {  	[dreg:$0x4] =	wrdreg $0xC0  }
0xb1: {  	_ =	task [dreg:s8], $0x5FFFF  }
0xb2: {  	[dreg:$0x1] =	wrdreg $0xFFFFFFFF  }
0xb3: {  	[dreg:$0x0] =	wrdreg $0x60  }
0xb4: {  	[dreg:$0x2] =	wrdreg s24  }
0xb5: {  	[dreg:$0x3] =	wrdreg s17  }
0xb6: {  	[dreg:$0x4] =	wrdreg s16  }
0xb7: {  	[dreg:$0x5] =	wrdreg $0x9  }
0xb8: {  	_ =	task.clear_ibuf [dreg:s8], $0x6FFFF;
	_ =	strace $0x90000046  }
0xb9: {  	s29 =	simm.s32 $0x9;
	_ =	strace $0x80000048  }
0xba: {  	_ =	swait.ge [sflag:s29], $0x1  }
0xbb: {  	[sflag:s29] =	ssyncadd.s32 $0xFFFFFFFF  }
0xbc: {  	_ =	strace $0x90000048  }
0xbd: {  	_ =	sfence  }
0xbe: {  	s30 =	sld [smem:$0x0];
	_ =	sdelay $0x2  }
0xbf: {  	s31 =	sshll.u32 s1, $0xD;
	s1 =	sshrl.u32 s1, $0x2  }
0xc0: {  	s3 =	sand.u32 $0x4000, s31;
	s1 =	sadd.s32 s1, s30  }
0xc1: {  	s0 =	sor.u32 s3, s0;
	s1 =	sshll.u32 s1, $0x11  }
0xc2: {  	s0 =	sor.u32 s1, s0  }
0xc3: {  	s0 =	sadd.s32 $0x8F2B, s0  }
0xc4: {  	[sflag:s0] =	ssyncadd.remote.s32 $0x1  }
0xc5: {  	_ =	sfence.sel $0xFFFF  }
0xc6: {  	[dreg:$0x0] =	wrdreg $0xFFFFFFFF;
	(pc) =	sbr.abs _section_cstart, $3  }
0xc7: {  	[dreg:$0x1] =	wrdreg $0xFFFFFFFF  }
0xc8: {  	_ =	task.clear_ibuf [dreg:s8], $0x2FFFF;
	_ =	strace $0x9FFFFFFF  }
0xc9: {  	(tm) =	ssettm $0x7FFFFFFF  }
tec
execute0_lowered:
.L_overlay_start_1:
0x0: {  	(tag) =	ssettag $0x1  }
0x1: {  	s1 =	rddreg [dreg:$0x0]  }
0x2: {  	s2 =	srdreg.scid;
	s3 =	rddreg [dreg:$0x1]  }
0x3: {  	s5 =	rddreg [dreg:$0x2];
	s4 =	sand.u32 $0x1, s2;
	s2 =	simm.s32 $0x0  }
0x4: {  	s24 =	simm.s32 $0x980;
	[smem:$0x7FF] =	sst s2  }
0x5: {  	s25 =	simm.s32 $0xD80;
	_ =	strace $0x80000047;
	[dreg:$0x6] =	wrdreg s24  }
0x6: {  	s0 =	stileid.u32;
	s26 =	simm.s32 $0x1580;
	[dreg:$0x7] =	wrdreg s25  }
0x7: {  	s22 =	sshll.u32 s0, $0x1;
	s0 =	simm.s32 $0x1980;
	[dreg:$0x8] =	wrdreg s26  }
0x8: {  	s8 =	simm.s32 $0x3180;
	[dreg:$0x9] =	wrdreg s0  }
0x9: {  	s9 =	simm.s32 $0x3980;
	[dreg:$0xd] =	wrdreg s8  }
0xa: {  	s10 =	simm.s32 $0x3D80;
	[dreg:$0xe] =	wrdreg s9  }
0xb: {  	s11 =	simm.s32 $0x4580;
	[dreg:$0xf] =	wrdreg s10  }
0xc: {  	s12 =	simm.s32 $0x4980;
	[dreg:$0x10] =	wrdreg s11  }
0xd: {  	s13 =	simm.s32 $0x5180;
	[dreg:$0x11] =	wrdreg s12  }
0xe: {  	s14 =	simm.s32 $0x5580;
	[dreg:$0x12] =	wrdreg s13  }
0xf: {  	s15 =	simm.s32 $0x5D80;
	[dreg:$0x13] =	wrdreg s14  }
0x10: {  	s16 =	simm.s32 $0x6180;
	[dreg:$0x14] =	wrdreg s15  }
0x11: {  	s17 =	simm.s32 $0x6980;
	[dreg:$0x15] =	wrdreg s16  }
0x12: {  	s18 =	simm.s32 $0x6D80;
	[dreg:$0x16] =	wrdreg s17  }
0x13: {  	s19 =	simm.s32 $0x7580;
	[dreg:$0x17] =	wrdreg s18  }
0x14: {  	s20 =	simm.s32 $0x7980;
	[dreg:$0x18] =	wrdreg s19  }
0x15: {  	s21 =	simm.s32 $0x8180;
	[dreg:$0x19] =	wrdreg s20  }
0x16: {  	s6 =	sor.u32 s4, s22;
	s22 =	simm.s32 $0x8580;
	[dreg:$0x1a] =	wrdreg s21  }
0x17: {  	[dreg:$0x1b] =	wrdreg s22;
	s24 =	simm.s32 $0x9180  }
0x18: {  	s25 =	simm.s32 $0x9980;
	[dreg:$0x1d] =	wrdreg s24  }
0x19: {  	s26 =	simm.s32 $0x9D80;
	[dreg:$0x1e] =	wrdreg s25  }
0x1a: {  	s0 =	simm.s32 $0xA580;
	[dreg:$0x1f] =	wrdreg s26  }
0x1b: {  	s8 =	simm.s32 $0xBD80;
	[smem:$0x7E8] =	sst s0  }
0x1c: {  	s9 =	simm.s32 $0xC180;
	[smem:$0x7EC] =	sst s8  }
0x1d: {  	s10 =	simm.s32 $0xC980;
	[smem:$0x7ED] =	sst s9  }
0x1e: {  	s11 =	simm.s32 $0xCD80;
	[smem:$0x7EE] =	sst s10  }
0x1f: {  	s12 =	simm.s32 $0xD580;
	[smem:$0x7EF] =	sst s11  }
0x20: {  	s13 =	simm.s32 $0xD980;
	[smem:$0x7F0] =	sst s12  }
0x21: {  	s14 =	simm.s32 $0xE180;
	[smem:$0x7F1] =	sst s13  }
0x22: {  	s15 =	simm.s32 $0xE580;
	[smem:$0x7F2] =	sst s14  }
0x23: {  	s28 =	simm.s32 $0x19980;
	s16 =	simm.s32 $0xED80;
	[smem:$0x7F3] =	sst s15  }
0x24: {  	s29 =	simm.s32 $0x1A180;
	s17 =	simm.s32 $0xF180;
	[smem:$0x7F4] =	sst s16  }
0x25: {  	s30 =	simm.s32 $0x1A580;
	s18 =	simm.s32 $0xF980;
	[smem:$0x7F5] =	sst s17  }
0x26: {  	s31 =	simm.s32 $0x1AD80;
	s19 =	simm.s32 $0xFD80;
	[smem:$0x7F6] =	sst s18  }
0x27: {  	s4 =	ssub.s32 $0x2, s4;
	s20 =	simm.s32 $0x10580;
	[smem:$0x7F7] =	sst s19  }
0x28: {  	s7 =	smul.u32 $0x24, s6;
	s21 =	simm.s32 $0x10980;
	[smem:$0x7F8] =	sst s20  }
0x29: {  	s6 =	smul.u32 $0x3600, s6;
	s22 =	sshrl.u32 s4, $0x1;
	[smem:$0x7F9] =	sst s21  }
0x2a: {  	s24 =	simm.s32 $0x11580;
	s25 =	simm.s32 $0x11D80;
	s26 =	simm.s32 $0x12180  }
0x2b: {  	s9 =	simm.s32 $0x12D80;
	s10 =	simm.s32 $0x13580;
	s11 =	simm.s32 $0x13980  }
0x2c: {  	s12 =	simm.s32 $0x14180;
	s13 =	simm.s32 $0x14580;
	[smem:$0x7FB] =	sst s24  }
0x2d: {  	s14 =	simm.s32 $0x14D80;
	s15 =	simm.s32 $0x15180;
	[smem:$0x7FC] =	sst s25  }
0x2e: {  	s16 =	simm.s32 $0x15980;
	s3 =	sadd.s32 s3, s7;
	[smem:$0x7FD] =	sst s26  }
0x2f: {  	s17 =	simm.s32 $0x15D80;
	s23 =	sadd.s32 s5, s6;
	[dreg:$0x4] =	wrdreg s3  }
0x30: {  	s18 =	simm.s32 $0x16580;
	s5 =	simm.s32 $0x2180;
	[dreg:$0x5] =	wrdreg s23  }
0x31: {  	s19 =	simm.s32 $0x16980;
	s6 =	simm.s32 $0x2580;
	[dreg:$0xa] =	wrdreg s5  }
0x32: {  	s20 =	simm.s32 $0x17180;
	s7 =	simm.s32 $0x2D80;
	[dreg:$0xb] =	wrdreg s6  }
0x33: {  	s21 =	simm.s32 $0x17580;
	[dreg:$0xc] =	wrdreg s7;
	s23 =	simm.s32 $0x8D80  }
0x34: {  	s24 =	simm.s32 $0x18980;
	s5 =	simm.s32 $0xA980;
	[dreg:$0x1c] =	wrdreg s23  }
0x35: {  	s25 =	simm.s32 $0x18D80;
	s6 =	simm.s32 $0xB180;
	[smem:$0x7E9] =	sst s5  }
0x36: {  	s26 =	simm.s32 $0x19580;
	s7 =	simm.s32 $0xB580;
	[smem:$0x7EA] =	sst s6  }
0x37: {  	s3 =	sadd.s32 $0x1400, s1;
	[smem:$0x7EB] =	sst s7;
	s23 =	simm.s32 $0x11180  }
0x38: {  	v2 =	vlaneseq.u32;
	s6 =	ssub.s32 s4, s22;
	s4 =	sadd.s32 $0x1500, s1;
	s7 =	simm.s32 $0x180  }
0x39: {  	vm0 =	vmmov $0xffff;
	vm1 =	vmmov $0xff;
	v1 =	vshrl.u32 v2, $0x3;
	s22 =	simm.s32 $0x17D80;
	s1 =	simm.s32 $0x1;
	[smem:$0x7FA] =	sst s23  }
0x3a: {  	v0 =	vand.u32 $0x7, v2;
	v2 =	vor.u32 $0x8, v2;
	v1 =	vmul.u32 $0x8, v1;
	s5 =	smax.u32 s6, $0x1;
	s6 =	simm.s32 $0x2;
	s23 =	simm.s32 $0x18180  }
.LBB2_1:
0x3b: {  	s0 =	rddreg [dreg:$0x4]  }
0x3c: {  	[tilespmem:s2], [sflag:$0x2] =	stream.linear.gather [hbm4b:s0+s2], $0x120, $0x38;
	[tilespmem:$0x1B180] =	vst v63  }
0x3d: {  	_ =	swait.ge [sflag:s6], $0x120  }
0x3e: {  	[sflag:s6] =	ssyncset.done $0x0  }
0x3f: {  	[sflag:s6] =	ssyncadd.s32 $0xFFFFFEE0  }
0x40: {  	v3 =	vld [tilespmem:$0x0];
	_ =	sdelay $0x4  }
0x41: {  	v4 =	vshrl.u32 v3, $0x3  }
0x42: {  	v4 =	vmul.u32 $0x18, v4  }
0x43: {  	v3 =	vand.u32 $0x7, v3  }
0x44: {  	v3 =	vor.u32 v3, v4  }
0x45: {  	v4 =	vperm.xlane v3, v0;
	_ =	sdelay $0x1  }
0x46: {  	v4 =	vadd.s32 v1, v4;
	_ =	sdelay $0x1  }
0x47: {  	v3 =	vperm.xlane v3, v2;
	_ =	sdelay $0x1  }
0x48: {  	v3 =	vadd.s32 v1, v3  }
0x49: {  	[tilespmem:s7], [sflag:$0x1] =	stream.indirect_vreg.gather [hbm4b:s3+s2], $0x80, v4, vm0, $0xb8;
	[tilespmem:$0x1B180] =	vst v63  }
0x4a: {  	s0 =	rddreg [dreg:$0x6]  }
0x4b: {  	[tilespmem:s0], [sflag:$0x1] =	stream.indirect_vreg.gather [hbm4b:s4+s2], $0x80, v4, vm1, $0xb8;
	[tilespmem:$0x1B180] =	vst v63  }
0x4c: {  	s8 =	rddreg [dreg:$0x7]  }
0x4d: {  	[tilespmem:s8], [sflag:$0x1] =	stream.indirect_vreg.gather [hbm4b:s3+s2], $0x80, v3, vm0, $0xb8;
	[tilespmem:$0x1B180] =	vst v63  }
0x4e: {  	s0 =	rddreg [dreg:$0x8]  }
0x4f: {  	[tilespmem:s0], [sflag:$0x1] =	stream.indirect_vreg.gather [hbm4b:s4+s2], $0x80, v3, vm1, $0xb8;
	[tilespmem:$0x1B180] =	vst v63  }
0x50: {  	v3 =	vld [tilespmem:$0x10];
	_ =	sdelay $0x4  }
0x51: {  	v47 =	vshrl.u32 v3, $0x3  }
0x52: {  	v4 =	vmul.u32 $0x18, v47  }
0x53: {  	v3 =	vand.u32 $0x7, v3  }
0x54: {  	v3 =	vor.u32 v3, v4  }
0x55: {  	v4 =	vperm.xlane v3, v0;
	_ =	sdelay $0x1  }
0x56: {  	v4 =	vadd.s32 v1, v4;
	_ =	sdelay $0x1  }
0x57: {  	v3 =	vperm.xlane v3, v2;
	_ =	sdelay $0x1  }
0x58: {  	s0 =	rddreg [dreg:$0x9];
	v3 =	vadd.s32 v1, v3  }
0x59: {  	[tilespmem:s0], [sflag:$0x1] =	stream.indirect_vreg.gather [hbm4b:s3+s2], $0x80, v4, vm0, $0xb8;
	[tilespmem:$0x1B180] =	vst v63  }
0x5a: {  	s8 =	rddreg [dreg:$0xa]  }
0x5b: {  	[tilespmem:s8], [sflag:$0x1] =	stream.indirect_vreg.gather [hbm4b:s4+s2], $0x80, v4, vm1, $0xb8;
	[tilespmem:$0x1B180] =	vst v63  }
0x5c: {  	s0 =	rddreg [dreg:$0xb]  }
0x5d: {  	[tilespmem:s0], [sflag:$0x1] =	stream.indirect_vreg.gather [hbm4b:s3+s2], $0x80, v3, vm0, $0xb8;
	[tilespmem:$0x1B180] =	vst v63  }
0x5e: {  	s8 =	rddreg [dreg:$0xc]  }
0x5f: {  	[tilespmem:s8], [sflag:$0x1] =	stream.indirect_vreg.gather [hbm4b:s4+s2], $0x80, v3, vm1, $0xb8;
	[tilespmem:$0x1B180] =	vst v63  }
0x60: {  	v3 =	vld [tilespmem:$0x20];
	_ =	sdelay $0x4  }
0x61: {  	v48 =	vshrl.u32 v3, $0x3  }
0x62: {  	v4 =	vmul.u32 $0x18, v48  }
0x63: {  	v3 =	vand.u32 $0x7, v3  }
0x64: {  	v3 =	vor.u32 v3, v4  }
0x65: {  	v4 =	vperm.xlane v3, v0;
	_ =	sdelay $0x1  }
0x66: {  	v4 =	vadd.s32 v1, v4;
	_ =	sdelay $0x1  }
0x67: {  	v3 =	vperm.xlane v3, v2;
	_ =	sdelay $0x1  }
0x68: {  	s0 =	rddreg [dreg:$0xd];
	v3 =	vadd.s32 v1, v3  }
0x69: {  	[tilespmem:s0], [sflag:$0x1] =	stream.indirect_vreg.gather [hbm4b:s3+s2], $0x80, v4, vm0, $0xb8;
	[tilespmem:$0x1B180] =	vst v63  }
0x6a: {  	s8 =	rddreg [dreg:$0xe]  }
0x6b: {  	[tilespmem:s8], [sflag:$0x1] =	stream.indirect_vreg.gather [hbm4b:s4+s2], $0x80, v4, vm1, $0xb8;
	[tilespmem:$0x1B180] =	vst v63  }
0x6c: {  	s0 =	rddreg [dreg:$0xf]  }
0x6d: {  	[tilespmem:s0], [sflag:$0x1] =	stream.indirect_vreg.gather [hbm4b:s3+s2], $0x80, v3, vm0, $0xb8;
	[tilespmem:$0x1B180] =	vst v63  }
0x6e: {  	s8 =	rddreg [dreg:$0x10]  }
0x6f: {  	[tilespmem:s8], [sflag:$0x1] =	stream.indirect_vreg.gather [hbm4b:s4+s2], $0x80, v3, vm1, $0xb8;
	[tilespmem:$0x1B180] =	vst v63  }
0x70: {  	v3 =	vld [tilespmem:$0x30];
	_ =	sdelay $0x4  }
0x71: {  	v49 =	vshrl.u32 v3, $0x3  }
0x72: {  	v4 =	vmul.u32 $0x18, v49  }
0x73: {  	v3 =	vand.u32 $0x7, v3  }
0x74: {  	v3 =	vor.u32 v3, v4  }
0x75: {  	v4 =	vperm.xlane v3, v0;
	_ =	sdelay $0x1  }
0x76: {  	v4 =	vadd.s32 v1, v4;
	_ =	sdelay $0x1  }
0x77: {  	v3 =	vperm.xlane v3, v2;
	_ =	sdelay $0x1  }
0x78: {  	s0 =	rddreg [dreg:$0x11];
	v3 =	vadd.s32 v1, v3  }
0x79: {  	[tilespmem:s0], [sflag:$0x1] =	stream.indirect_vreg.gather [hbm4b:s3+s2], $0x80, v4, vm0, $0xb8;
	[tilespmem:$0x1B180] =	vst v63  }
0x7a: {  	s8 =	rddreg [dreg:$0x12]  }
0x7b: {  	[tilespmem:s8], [sflag:$0x1] =	stream.indirect_vreg.gather [hbm4b:s4+s2], $0x80, v4, vm1, $0xb8;
	[tilespmem:$0x1B180] =	vst v63  }
0x7c: {  	s0 =	rddreg [dreg:$0x13]  }
0x7d: {  	[tilespmem:s0], [sflag:$0x1] =	stream.indirect_vreg.gather [hbm4b:s3+s2], $0x80, v3, vm0, $0xb8;
	[tilespmem:$0x1B180] =	vst v63  }
0x7e: {  	s8 =	rddreg [dreg:$0x14]  }
0x7f: {  	[tilespmem:s8], [sflag:$0x1] =	stream.indirect_vreg.gather [hbm4b:s4+s2], $0x80, v3, vm1, $0xb8;
	[tilespmem:$0x1B180] =	vst v63  }
0x80: {  	v3 =	vld [tilespmem:$0x40];
	_ =	sdelay $0x4  }
0x81: {  	v50 =	vshrl.u32 v3, $0x3  }
0x82: {  	v4 =	vmul.u32 $0x18, v50  }
0x83: {  	v3 =	vand.u32 $0x7, v3  }
0x84: {  	v3 =	vor.u32 v3, v4  }
0x85: {  	v4 =	vperm.xlane v3, v0;
	_ =	sdelay $0x1  }
0x86: {  	v4 =	vadd.s32 v1, v4;
	_ =	sdelay $0x1  }
0x87: {  	v3 =	vperm.xlane v3, v2;
	_ =	sdelay $0x1  }
0x88: {  	s0 =	rddreg [dreg:$0x15];
	v3 =	vadd.s32 v1, v3  }
0x89: {  	[tilespmem:s0], [sflag:$0x1] =	stream.indirect_vreg.gather [hbm4b:s3+s2], $0x80, v4, vm0, $0xb8;
	[tilespmem:$0x1B180] =	vst v63  }
0x8a: {  	s8 =	rddreg [dreg:$0x16]  }
0x8b: {  	[tilespmem:s8], [sflag:$0x1] =	stream.indirect_vreg.gather [hbm4b:s4+s2], $0x80, v4, vm1, $0xb8;
	[tilespmem:$0x1B180] =	vst v63  }
0x8c: {  	s0 =	rddreg [dreg:$0x17]  }
0x8d: {  	[tilespmem:s0], [sflag:$0x1] =	stream.indirect_vreg.gather [hbm4b:s3+s2], $0x80, v3, vm0, $0xb8;
	[tilespmem:$0x1B180] =	vst v63  }
0x8e: {  	s8 =	rddreg [dreg:$0x18]  }
0x8f: {  	[tilespmem:s8], [sflag:$0x1] =	stream.indirect_vreg.gather [hbm4b:s4+s2], $0x80, v3, vm1, $0xb8;
	[tilespmem:$0x1B180] =	vst v63  }
0x90: {  	v3 =	vld [tilespmem:$0x50];
	_ =	sdelay $0x4  }
0x91: {  	v51 =	vshrl.u32 v3, $0x3  }
0x92: {  	v4 =	vmul.u32 $0x18, v51  }
0x93: {  	v3 =	vand.u32 $0x7, v3  }
0x94: {  	v3 =	vor.u32 v3, v4  }
0x95: {  	v4 =	vperm.xlane v3, v0;
	_ =	sdelay $0x1  }
0x96: {  	v4 =	vadd.s32 v1, v4;
	_ =	sdelay $0x1  }
0x97: {  	v3 =	vperm.xlane v3, v2;
	_ =	sdelay $0x1  }
0x98: {  	s0 =	rddreg [dreg:$0x19];
	v3 =	vadd.s32 v1, v3  }
0x99: {  	[tilespmem:s0], [sflag:$0x1] =	stream.indirect_vreg.gather [hbm4b:s3+s2], $0x80, v4, vm0, $0xb8;
	[tilespmem:$0x1B180] =	vst v63  }
0x9a: {  	s8 =	rddreg [dreg:$0x1a]  }
0x9b: {  	[tilespmem:s8], [sflag:$0x1] =	stream.indirect_vreg.gather [hbm4b:s4+s2], $0x80, v4, vm1, $0xb8;
	[tilespmem:$0x1B180] =	vst v63  }
0x9c: {  	s0 =	rddreg [dreg:$0x1b]  }
0x9d: {  	[tilespmem:s0], [sflag:$0x1] =	stream.indirect_vreg.gather [hbm4b:s3+s2], $0x80, v3, vm0, $0xb8;
	[tilespmem:$0x1B180] =	vst v63  }
0x9e: {  	s8 =	rddreg [dreg:$0x1c]  }
0x9f: {  	[tilespmem:s8], [sflag:$0x1] =	stream.indirect_vreg.gather [hbm4b:s4+s2], $0x80, v3, vm1, $0xb8;
	[tilespmem:$0x1B180] =	vst v63  }
0xa0: {  	v3 =	vld [tilespmem:$0x60];
	_ =	sdelay $0x4  }
0xa1: {  	v52 =	vshrl.u32 v3, $0x3  }
0xa2: {  	v4 =	vmul.u32 $0x18, v52  }
0xa3: {  	v3 =	vand.u32 $0x7, v3  }
0xa4: {  	v3 =	vor.u32 v3, v4  }
0xa5: {  	v4 =	vperm.xlane v3, v0;
	_ =	sdelay $0x1  }
0xa6: {  	v4 =	vadd.s32 v1, v4;
	_ =	sdelay $0x1  }
0xa7: {  	v3 =	vperm.xlane v3, v2  }
0xa8: {  	s0 =	rddreg [dreg:$0x1d]  }
0xa9: {  	s8 =	rddreg [dreg:$0x1e];
	v3 =	vadd.s32 v1, v3  }
0xaa: {  	[tilespmem:s0], [sflag:$0x1] =	stream.indirect_vreg.gather [hbm4b:s3+s2], $0x80, v4, vm0, $0xb8;
	[tilespmem:$0x1B180] =	vst v63  }
0xab: {  	s0 =	rddreg [dreg:$0x1f]  }
0xac: {  	[tilespmem:s8], [sflag:$0x1] =	stream.indirect_vreg.gather [hbm4b:s4+s2], $0x80, v4, vm1, $0xb8;
	[tilespmem:$0x1B180] =	vst v63  }
0xad: {  	s8 =	sld [smem:$0x7E8]  }
0xae: {  	[tilespmem:s0], [sflag:$0x1] =	stream.indirect_vreg.gather [hbm4b:s3+s2], $0x80, v3, vm0, $0xb8;
	[tilespmem:$0x1B180] =	vst v63  }
0xaf: {  	_ = 	snop  }
0xb0: {  	[tilespmem:s8], [sflag:$0x1] =	stream.indirect_vreg.gather [hbm4b:s4+s2], $0x80, v3, vm1, $0xb8;
	[tilespmem:$0x1B180] =	vst v63  }
0xb1: {  	v3 =	vld [tilespmem:$0x70];
	_ =	sdelay $0x4  }
0xb2: {  	v53 =	vshrl.u32 v3, $0x3  }
0xb3: {  	v4 =	vmul.u32 $0x18, v53  }
0xb4: {  	v3 =	vand.u32 $0x7, v3  }
0xb5: {  	v3 =	vor.u32 v3, v4  }
0xb6: {  	v4 =	vperm.xlane v3, v0;
	_ =	sdelay $0x1  }
0xb7: {  	v4 =	vadd.s32 v1, v4;
	_ =	sdelay $0x1  }
0xb8: {  	s0 =	sld [smem:$0x7E9];
	v3 =	vperm.xlane v3, v2;
	_ =	sdelay $0x1  }
0xb9: {  	s8 =	sld [smem:$0x7EA];
	v3 =	vadd.s32 v1, v3  }
0xba: {  	[tilespmem:s0], [sflag:$0x1] =	stream.indirect_vreg.gather [hbm4b:s3+s2], $0x80, v4, vm0, $0xb8;
	[tilespmem:$0x1B180] =	vst v63  }
0xbb: {  	s0 =	sld [smem:$0x7EB]  }
0xbc: {  	[tilespmem:s8], [sflag:$0x1] =	stream.indirect_vreg.gather [hbm4b:s4+s2], $0x80, v4, vm1, $0xb8;
	[tilespmem:$0x1B180] =	vst v63  }
0xbd: {  	s8 =	sld [smem:$0x7EC]  }
0xbe: {  	[tilespmem:s0], [sflag:$0x1] =	stream.indirect_vreg.gather [hbm4b:s3+s2], $0x80, v3, vm0, $0xb8;
	[tilespmem:$0x1B180] =	vst v63  }
0xbf: {  	_ = 	snop  }
0xc0: {  	[tilespmem:s8], [sflag:$0x1] =	stream.indirect_vreg.gather [hbm4b:s4+s2], $0x80, v3, vm1, $0xb8;
	[tilespmem:$0x1B180] =	vst v63  }
0xc1: {  	v3 =	vld [tilespmem:$0x80];
	_ =	sdelay $0x4  }
0xc2: {  	v54 =	vshrl.u32 v3, $0x3  }
0xc3: {  	v4 =	vmul.u32 $0x18, v54  }
0xc4: {  	v3 =	vand.u32 $0x7, v3  }
0xc5: {  	v3 =	vor.u32 v3, v4  }
0xc6: {  	v4 =	vperm.xlane v3, v0;
	_ =	sdelay $0x1  }
0xc7: {  	v4 =	vadd.s32 v1, v4;
	_ =	sdelay $0x1  }
0xc8: {  	s0 =	sld [smem:$0x7ED];
	v3 =	vperm.xlane v3, v2;
	_ =	sdelay $0x1  }
0xc9: {  	s8 =	sld [smem:$0x7EE];
	v3 =	vadd.s32 v1, v3  }
0xca: {  	[tilespmem:s0], [sflag:$0x1] =	stream.indirect_vreg.gather [hbm4b:s3+s2], $0x80, v4, vm0, $0xb8;
	[tilespmem:$0x1B180] =	vst v63  }
0xcb: {  	s0 =	sld [smem:$0x7EF]  }
0xcc: {  	[tilespmem:s8], [sflag:$0x1] =	stream.indirect_vreg.gather [hbm4b:s4+s2], $0x80, v4, vm1, $0xb8;
	[tilespmem:$0x1B180] =	vst v63  }
0xcd: {  	s8 =	sld [smem:$0x7F0]  }
0xce: {  	[tilespmem:s0], [sflag:$0x1] =	stream.indirect_vreg.gather [hbm4b:s3+s2], $0x80, v3, vm0, $0xb8;
	[tilespmem:$0x1B180] =	vst v63  }
0xcf: {  	_ = 	snop  }
0xd0: {  	[tilespmem:s8], [sflag:$0x1] =	stream.indirect_vreg.gather [hbm4b:s4+s2], $0x80, v3, vm1, $0xb8;
	[tilespmem:$0x1B180] =	vst v63  }
0xd1: {  	v3 =	vld [tilespmem:$0x90];
	_ =	sdelay $0x4  }
0xd2: {  	v55 =	vshrl.u32 v3, $0x3  }
0xd3: {  	v4 =	vmul.u32 $0x18, v55  }
0xd4: {  	v3 =	vand.u32 $0x7, v3  }
0xd5: {  	v3 =	vor.u32 v3, v4  }
0xd6: {  	v4 =	vperm.xlane v3, v0;
	_ =	sdelay $0x1  }
0xd7: {  	v4 =	vadd.s32 v1, v4;
	_ =	sdelay $0x1  }
0xd8: {  	s0 =	sld [smem:$0x7F1];
	v3 =	vperm.xlane v3, v2;
	_ =	sdelay $0x1  }
0xd9: {  	s8 =	sld [smem:$0x7F2];
	v3 =	vadd.s32 v1, v3  }
0xda: {  	[tilespmem:s0], [sflag:$0x1] =	stream.indirect_vreg.gather [hbm4b:s3+s2], $0x80, v4, vm0, $0xb8;
	[tilespmem:$0x1B180] =	vst v63  }
0xdb: {  	s0 =	sld [smem:$0x7F3]  }
0xdc: {  	[tilespmem:s8], [sflag:$0x1] =	stream.indirect_vreg.gather [hbm4b:s4+s2], $0x80, v4, vm1, $0xb8;
	[tilespmem:$0x1B180] =	vst v63  }
0xdd: {  	s8 =	sld [smem:$0x7F4]  }
0xde: {  	[tilespmem:s0], [sflag:$0x1] =	stream.indirect_vreg.gather [hbm4b:s3+s2], $0x80, v3, vm0, $0xb8;
	[tilespmem:$0x1B180] =	vst v63  }
0xdf: {  	_ = 	snop  }
0xe0: {  	[tilespmem:s8], [sflag:$0x1] =	stream.indirect_vreg.gather [hbm4b:s4+s2], $0x80, v3, vm1, $0xb8;
	[tilespmem:$0x1B180] =	vst v63  }
0xe1: {  	v3 =	vld [tilespmem:$0xA0];
	_ =	sdelay $0x4  }
0xe2: {  	v56 =	vshrl.u32 v3, $0x3  }
0xe3: {  	v4 =	vmul.u32 $0x18, v56  }
0xe4: {  	v3 =	vand.u32 $0x7, v3  }
0xe5: {  	v3 =	vor.u32 v3, v4  }
0xe6: {  	v4 =	vperm.xlane v3, v0;
	_ =	sdelay $0x1  }
0xe7: {  	v4 =	vadd.s32 v1, v4;
	_ =	sdelay $0x1  }
0xe8: {  	s0 =	sld [smem:$0x7F5];
	v3 =	vperm.xlane v3, v2;
	_ =	sdelay $0x1  }
0xe9: {  	s8 =	sld [smem:$0x7F6];
	v3 =	vadd.s32 v1, v3  }
0xea: {  	[tilespmem:s0], [sflag:$0x1] =	stream.indirect_vreg.gather [hbm4b:s3+s2], $0x80, v4, vm0, $0xb8;
	[tilespmem:$0x1B180] =	vst v63  }
0xeb: {  	s0 =	sld [smem:$0x7F7]  }
0xec: {  	[tilespmem:s8], [sflag:$0x1] =	stream.indirect_vreg.gather [hbm4b:s4+s2], $0x80, v4, vm1, $0xb8;
	[tilespmem:$0x1B180] =	vst v63  }
0xed: {  	s8 =	sld [smem:$0x7F8]  }
0xee: {  	[tilespmem:s0], [sflag:$0x1] =	stream.indirect_vreg.gather [hbm4b:s3+s2], $0x80, v3, vm0, $0xb8;
	[tilespmem:$0x1B180] =	vst v63  }
0xef: {  	_ = 	snop  }
0xf0: {  	[tilespmem:s8], [sflag:$0x1] =	stream.indirect_vreg.gather [hbm4b:s4+s2], $0x80, v3, vm1, $0xb8;
	[tilespmem:$0x1B180] =	vst v63  }
0xf1: {  	v3 =	vld [tilespmem:$0xB0];
	_ =	sdelay $0x4  }
0xf2: {  	v57 =	vshrl.u32 v3, $0x3  }
0xf3: {  	v4 =	vmul.u32 $0x18, v57  }
0xf4: {  	v3 =	vand.u32 $0x7, v3  }
0xf5: {  	v3 =	vor.u32 v3, v4  }
0xf6: {  	v4 =	vperm.xlane v3, v0;
	_ =	sdelay $0x1  }
0xf7: {  	v4 =	vadd.s32 v1, v4;
	_ =	sdelay $0x1  }
0xf8: {  	s0 =	sld [smem:$0x7F9];
	v3 =	vperm.xlane v3, v2;
	_ =	sdelay $0x1  }
0xf9: {  	s8 =	sld [smem:$0x7FA];
	v3 =	vadd.s32 v1, v3  }
0xfa: {  	[tilespmem:s0], [sflag:$0x1] =	stream.indirect_vreg.gather [hbm4b:s3+s2], $0x80, v4, vm0, $0xb8;
	[tilespmem:$0x1B180] =	vst v63  }
0xfb: {  	s0 =	sld [smem:$0x7FB]  }
0xfc: {  	[tilespmem:s8], [sflag:$0x1] =	stream.indirect_vreg.gather [hbm4b:s4+s2], $0x80, v4, vm1, $0xb8;
	[tilespmem:$0x1B180] =	vst v63  }
0xfd: {  	s8 =	sld [smem:$0x7FC]  }
0xfe: {  	[tilespmem:s0], [sflag:$0x1] =	stream.indirect_vreg.gather [hbm4b:s3+s2], $0x80, v3, vm0, $0xb8;
	[tilespmem:$0x1B180] =	vst v63  }
0xff: {  	_ = 	snop  }
0x100: {  	[tilespmem:s8], [sflag:$0x1] =	stream.indirect_vreg.gather [hbm4b:s4+s2], $0x80, v3, vm1, $0xb8;
	[tilespmem:$0x1B180] =	vst v63  }
0x101: {  	v3 =	vld [tilespmem:$0xC0];
	_ =	sdelay $0x4  }
0x102: {  	v58 =	vshrl.u32 v3, $0x3  }
0x103: {  	v4 =	vmul.u32 $0x18, v58  }
0x104: {  	v3 =	vand.u32 $0x7, v3  }
0x105: {  	v3 =	vor.u32 v3, v4  }
0x106: {  	v4 =	vperm.xlane v3, v0;
	_ =	sdelay $0x1  }
0x107: {  	v4 =	vadd.s32 v1, v4;
	_ =	sdelay $0x1  }
0x108: {  	s8 =	sld [smem:$0x7FD];
	v3 =	vperm.xlane v3, v2;
	_ =	sdelay $0x1  }
0x109: {  	v3 =	vadd.s32 v1, v3  }
0x10a: {  	[tilespmem:s8], [sflag:$0x1] =	stream.indirect_vreg.gather [hbm4b:s3+s2], $0x80, v4, vm0, $0xb8;
	[tilespmem:$0x1B180] =	vst v63  }
0x10b: {  	s8 =	simm.s32 $0x12980  }
0x10c: {  	[tilespmem:s8], [sflag:$0x1] =	stream.indirect_vreg.gather [hbm4b:s4+s2], $0x80, v4, vm1, $0xb8;
	[tilespmem:$0x1B180] =	vst v63  }
0x10d: {  	_ = 	snop  }
0x10e: {  	[tilespmem:s9], [sflag:$0x1] =	stream.indirect_vreg.gather [hbm4b:s3+s2], $0x80, v3, vm0, $0xb8;
	[tilespmem:$0x1B180] =	vst v63  }
0x10f: {  	_ = 	snop  }
0x110: {  	[tilespmem:s10], [sflag:$0x1] =	stream.indirect_vreg.gather [hbm4b:s4+s2], $0x80, v3, vm1, $0xb8;
	[tilespmem:$0x1B180] =	vst v63  }
0x111: {  	v3 =	vld [tilespmem:$0xD0];
	_ =	sdelay $0x4  }
0x112: {  	v59 =	vshrl.u32 v3, $0x3  }
0x113: {  	v4 =	vmul.u32 $0x18, v59  }
0x114: {  	v3 =	vand.u32 $0x7, v3  }
0x115: {  	v3 =	vor.u32 v3, v4  }
0x116: {  	v4 =	vperm.xlane v3, v0;
	_ =	sdelay $0x1  }
0x117: {  	v4 =	vadd.s32 v1, v4;
	_ =	sdelay $0x1  }
0x118: {  	v3 =	vperm.xlane v3, v2;
	_ =	sdelay $0x1  }
0x119: {  	v3 =	vadd.s32 v1, v3  }
0x11a: {  	[tilespmem:s11], [sflag:$0x1] =	stream.indirect_vreg.gather [hbm4b:s3+s2], $0x80, v4, vm0, $0xb8;
	[tilespmem:$0x1B180] =	vst v63  }
0x11b: {  	_ = 	snop  }
0x11c: {  	[tilespmem:s12], [sflag:$0x1] =	stream.indirect_vreg.gather [hbm4b:s4+s2], $0x80, v4, vm1, $0xb8;
	[tilespmem:$0x1B180] =	vst v63  }
0x11d: {  	_ = 	snop  }
0x11e: {  	[tilespmem:s13], [sflag:$0x1] =	stream.indirect_vreg.gather [hbm4b:s3+s2], $0x80, v3, vm0, $0xb8;
	[tilespmem:$0x1B180] =	vst v63  }
0x11f: {  	_ = 	snop  }
0x120: {  	[tilespmem:s14], [sflag:$0x1] =	stream.indirect_vreg.gather [hbm4b:s4+s2], $0x80, v3, vm1, $0xb8;
	[tilespmem:$0x1B180] =	vst v63  }
0x121: {  	v3 =	vld [tilespmem:$0xE0];
	_ =	sdelay $0x4  }
0x122: {  	v60 =	vshrl.u32 v3, $0x3  }
0x123: {  	v4 =	vmul.u32 $0x18, v60  }
0x124: {  	v3 =	vand.u32 $0x7, v3  }
0x125: {  	v3 =	vor.u32 v3, v4  }
0x126: {  	v4 =	vperm.xlane v3, v0;
	_ =	sdelay $0x1  }
0x127: {  	v4 =	vadd.s32 v1, v4;
	_ =	sdelay $0x1  }
0x128: {  	v3 =	vperm.xlane v3, v2;
	_ =	sdelay $0x1  }
0x129: {  	v3 =	vadd.s32 v1, v3  }
0x12a: {  	[tilespmem:s15], [sflag:$0x1] =	stream.indirect_vreg.gather [hbm4b:s3+s2], $0x80, v4, vm0, $0xb8;
	[tilespmem:$0x1B180] =	vst v63  }
0x12b: {  	_ = 	snop  }
0x12c: {  	[tilespmem:s16], [sflag:$0x1] =	stream.indirect_vreg.gather [hbm4b:s4+s2], $0x80, v4, vm1, $0xb8;
	[tilespmem:$0x1B180] =	vst v63  }
0x12d: {  	_ = 	snop  }
0x12e: {  	[tilespmem:s17], [sflag:$0x1] =	stream.indirect_vreg.gather [hbm4b:s3+s2], $0x80, v3, vm0, $0xb8;
	[tilespmem:$0x1B180] =	vst v63  }
0x12f: {  	_ = 	snop  }
0x130: {  	[tilespmem:s18], [sflag:$0x1] =	stream.indirect_vreg.gather [hbm4b:s4+s2], $0x80, v3, vm1, $0xb8;
	[tilespmem:$0x1B180] =	vst v63  }
0x131: {  	v3 =	vld [tilespmem:$0xF0];
	_ =	sdelay $0x4  }
0x132: {  	v61 =	vshrl.u32 v3, $0x3  }
0x133: {  	v4 =	vmul.u32 $0x18, v61  }
0x134: {  	v3 =	vand.u32 $0x7, v3  }
0x135: {  	v3 =	vor.u32 v3, v4  }
0x136: {  	v4 =	vperm.xlane v3, v0;
	_ =	sdelay $0x1  }
0x137: {  	v4 =	vadd.s32 v1, v4;
	_ =	sdelay $0x1  }
0x138: {  	v3 =	vperm.xlane v3, v2;
	_ =	sdelay $0x1  }
0x139: {  	v3 =	vadd.s32 v1, v3  }
0x13a: {  	[tilespmem:s19], [sflag:$0x1] =	stream.indirect_vreg.gather [hbm4b:s3+s2], $0x80, v4, vm0, $0xb8;
	[tilespmem:$0x1B180] =	vst v63  }
0x13b: {  	_ = 	snop  }
0x13c: {  	[tilespmem:s20], [sflag:$0x1] =	stream.indirect_vreg.gather [hbm4b:s4+s2], $0x80, v4, vm1, $0xb8;
	[tilespmem:$0x1B180] =	vst v63  }
0x13d: {  	_ = 	snop  }
0x13e: {  	[tilespmem:s21], [sflag:$0x1] =	stream.indirect_vreg.gather [hbm4b:s3+s2], $0x80, v3, vm0, $0xb8;
	[tilespmem:$0x1B180] =	vst v63  }
0x13f: {  	_ = 	snop  }
0x140: {  	[tilespmem:s22], [sflag:$0x1] =	stream.indirect_vreg.gather [hbm4b:s4+s2], $0x80, v3, vm1, $0xb8;
	[tilespmem:$0x1B180] =	vst v63  }
0x141: {  	v3 =	vld [tilespmem:$0x100];
	_ =	sdelay $0x4  }
0x142: {  	v62 =	vshrl.u32 v3, $0x3  }
0x143: {  	v4 =	vmul.u32 $0x18, v62  }
0x144: {  	v3 =	vand.u32 $0x7, v3  }
0x145: {  	v3 =	vor.u32 v3, v4  }
0x146: {  	v4 =	vperm.xlane v3, v0;
	_ =	sdelay $0x1  }
0x147: {  	v4 =	vadd.s32 v1, v4;
	_ =	sdelay $0x1  }
0x148: {  	v3 =	vperm.xlane v3, v2;
	_ =	sdelay $0x1  }
0x149: {  	v3 =	vadd.s32 v1, v3  }
0x14a: {  	[tilespmem:s23], [sflag:$0x1] =	stream.indirect_vreg.gather [hbm4b:s3+s2], $0x80, v4, vm0, $0xb8;
	[tilespmem:$0x1B180] =	vst v63  }
0x14b: {  	_ = 	snop  }
0x14c: {  	[tilespmem:s24], [sflag:$0x1] =	stream.indirect_vreg.gather [hbm4b:s4+s2], $0x80, v4, vm1, $0xb8;
	[tilespmem:$0x1B180] =	vst v63  }
0x14d: {  	_ = 	snop  }
0x14e: {  	[tilespmem:s25], [sflag:$0x1] =	stream.indirect_vreg.gather [hbm4b:s3+s2], $0x80, v3, vm0, $0xb8;
	[tilespmem:$0x1B180] =	vst v63  }
0x14f: {  	_ = 	snop  }
0x150: {  	[tilespmem:s26], [sflag:$0x1] =	stream.indirect_vreg.gather [hbm4b:s4+s2], $0x80, v3, vm1, $0xb8;
	[tilespmem:$0x1B180] =	vst v63  }
0x151: {  	v3 =	vld [tilespmem:$0x110];
	_ =	sdelay $0x4  }
0x152: {  	v63 =	vshrl.u32 v3, $0x3  }
0x153: {  	v4 =	vmul.u32 $0x18, v63  }
0x154: {  	v3 =	vand.u32 $0x7, v3  }
0x155: {  	v3 =	vor.u32 v3, v4  }
0x156: {  	v4 =	vperm.xlane v3, v0;
	_ =	sdelay $0x1  }
0x157: {  	v4 =	vadd.s32 v1, v4;
	_ =	sdelay $0x1  }
0x158: {  	v3 =	vperm.xlane v3, v2;
	_ =	sdelay $0x1  }
0x159: {  	v3 =	vadd.s32 v1, v3  }
0x15a: {  	[tilespmem:s28], [sflag:$0x1] =	stream.indirect_vreg.gather [hbm4b:s3+s2], $0x80, v4, vm0, $0xb8;
	[tilespmem:$0x1B180] =	vst v63  }
0x15b: {  	_ = 	snop  }
0x15c: {  	[tilespmem:s29], [sflag:$0x1] =	stream.indirect_vreg.gather [hbm4b:s4+s2], $0x80, v4, vm1, $0xb8;
	[tilespmem:$0x1B180] =	vst v63  }
0x15d: {  	_ = 	snop  }
0x15e: {  	[tilespmem:s30], [sflag:$0x1] =	stream.indirect_vreg.gather [hbm4b:s3+s2], $0x80, v3, vm0, $0xb8;
	[tilespmem:$0x1B180] =	vst v63  }
0x15f: {  	_ = 	snop  }
0x160: {  	[tilespmem:s31], [sflag:$0x1] =	stream.indirect_vreg.gather [hbm4b:s4+s2], $0x80, v3, vm1, $0xb8;
	[tilespmem:$0x1B180] =	vst v63  }
0x161: {  	_ =	swait.ge [sflag:s1], $0x1B000  }
0x162: {  	p0 =	sne.s32 s5, $0x1;
	[sflag:s1] =	ssyncset.done $0x0  }
.Ltmp0:
0x163: {  	s8 =	rddreg [dreg:$0x5];
	[sflag:s1] =	ssyncadd.s32 $0xFFFE5000;
	(pc) =	sbr.rel @p0 .LBB2_1-.Ltmp0, $4  }
0x164: {  	[hbm4b:s8+s2] =	stream.linear.scatter [tilespmem:s7], [sflag:$0x2], $0x1B000, $0x38;
	[tilespmem:$0x1B180] =	vst v63  }
0x165: {  	_ =	swait.ge [sflag:s6], $0x1B000  }
0x166: {  	[sflag:s6] =	ssyncset.done $0x0  }
0x167: {  	s5 =	sadd.s32 $0xFFFFFFFF, s5;
	[sflag:s6] =	ssyncadd.s32 $0xFFFE5000  }
0x168: {  	_ =	sfence.sel $0x180000  }
0x169: {  	[bflag:$0x0] =	sbarrier.arrive $0xFFFF  }
0x16a: {  	_ =	strace $0x90000047  }
0x16b: {  	s0 =	stileid.u32;
	[bflag:$0x2] =	sbarrier.arrive $0xFFFF  }
0x16c: {  	p0 =	sne.s32 s0, $0x0;
	s0 =	rddreg [dreg:$0x3]  }
0x16d: {  	s0 =	sadd.s32 @!p0 $0x100000, s0  }
0x16e: {  	[sflag:s0] =	ssyncadd.tile.s32 @!p0 $0x1;
	_ =	shalt  }
.Lfunc_end2:
_tile_overlayer_lowered:
.L_overlay_start_2:
0x16f: {  	(tag) =	ssettag $0x2  }
0x170: {  	s0 =	rddreg [dreg:$0x0];
	s2 =	stileid.u32  }
0x171: {  	s1 =	rddreg [dreg:$0x1];
	p0 =	sne.s32 s2, $0x0  }
0x172: {  	s3 =	rddreg [dreg:$0x2];
	[bflag:$0x3] =	sbarrier.arrive $0xFFFF;
	s2 =	simm.s32 @!p0 $0x1C02  }
0x173: {  	[timem:s3], [sflag:s2] =	dma.local @!p0 [hbm:s0], s1  }
0x174: {  	s0 =	simm.s32 @!p0 $0x2  }
0x175: {  	_ =	swait.ge @!p0 [sflag:s0], s1  }
0x176: {  	s1 =	ssub.s32 @!p0 $0x0, s1;
	[sflag:s0] =	ssyncset.done @!p0 $0x0  }
0x177: {  	[sflag:s0] =	ssyncadd.s32 @!p0 s1  }
0x178: {  	[bflag:$0x3] =	sbarrier.arrive $0xFFFF  }
0x179: {  	_ =	shalt  }

</sc_bundles>
